<compile_context>
chip_gen: v7x
topology: tpu7x:2x2x1
jax: 0.10.2.dev20260603
libtpu: 0.0.44.dev20260713+nightly
codegen_flags: <defaults>
</compile_context>

<pallas_src>
import functools

import jax
import jax.numpy as jnp
from jax import lax
from jax.experimental import pallas as pl
from jax.experimental.pallas import tpu as pltpu
from jax.experimental.pallas import tpu_sc as plsc

VOCAB = 100000
D = 64
T = 2048
B = 4
NTOK = B * T
NW = 32
D_PER_W = D // NW
LANES = 16
NC = 2


def _sc_embed(tokens_1d, table_t, pos_t):
    mesh = plsc.VectorSubcoreMesh(core_axis_name="c", subcore_axis_name="s")

    @functools.partial(
        pl.kernel,
        mesh=mesh,
        out_type=jax.ShapeDtypeStruct((B, D, T), jnp.float32),
        scratch_types=[
            pltpu.VMEM((NTOK,), jnp.int32),
            pltpu.VMEM((VOCAB,), jnp.float32),
            pltpu.VMEM((T,), jnp.float32),
            pltpu.VMEM((D_PER_W, B, T), jnp.float32),
            pltpu.SemaphoreType.DMA,
            pltpu.SemaphoreType.DMA,
        ],
        compiler_params=pltpu.CompilerParams(
            use_tc_tiling_on_sc=True, needs_layout_passes=False
        ),
    )
    def k(tok_hbm, tab_hbm, pos_hbm, out_hbm, idx_v, row_v, pos_v, out_v,
          sem, osem):
        wid = lax.axis_index("s") * NC + lax.axis_index("c")

        h_row = pltpu.async_copy(tab_hbm.at[wid * D_PER_W], row_v, sem)
        h_pos = pltpu.async_copy(pos_hbm.at[wid * D_PER_W], pos_v, sem)
        pltpu.sync_copy(tok_hbm, idx_v)
        hs = [h_row, h_pos]

        for di in range(D_PER_W):
            d = wid * D_PER_W + di
            for h in hs:
                h.wait()

            def grp(g, carry, di=di):
                t0 = g * LANES
                sl = pl.ds(t0, LANES)
                pos16 = pos_v[sl]
                for b in range(B):
                    idx16 = idx_v[pl.ds(b * T + t0, LANES)]
                    vals = plsc.load_gather(row_v, [idx16])
                    out_v[di, b, sl] = vals + pos16
                return carry

            lax.fori_loop(0, T // LANES, grp, 0)

            if di + 1 < D_PER_W:
                hs = [
                    pltpu.async_copy(tab_hbm.at[d + 1], row_v, sem),
                    pltpu.async_copy(pos_hbm.at[d + 1], pos_v, sem),
                ]

            for b in range(B):
                pltpu.async_copy(out_v.at[di, b], out_hbm.at[b, d], osem)

        pltpu.make_async_copy(
            out_hbm.at[pl.ds(0, D_PER_W), pl.ds(0, B)], out_v, osem
        ).wait()

    return k(tokens_1d, table_t, pos_t)


def kernel(tokens, tok_table, pos_table):
    tokens_1d = tokens.reshape(NTOK).astype(jnp.int32)
    out_t = _sc_embed(tokens_1d, tok_table.T, pos_table.T)
    return out_t.transpose(0, 2, 1)

# --- scband reference (transcript-rebuilt; emitter-appended) ---
"""Pipeline reference for scband-input-embedding-55516747268176 (READ-ONLY COPY).

The authoritative reference and input builder live on the scoring server;
editing this copy changes nothing except your own understanding.
"""

import jax, jax.numpy as jnp
import numpy as np

VOCAB_SIZE = 100000
EMBD_DIM = 64
SEQ_LENGTH = 2048

def setup_inputs(seed: int = 0) -> dict:
    key = jax.random.key(seed)
    k1, k2, k3 = jax.random.split(key, 3)
    tokens = jax.random.randint(k1, (4, 2048), 0, VOCAB_SIZE, dtype=jnp.int64 if jax.config.jax_enable_x64 else jnp.int32)
    tok_table = jax.random.normal(k2, (VOCAB_SIZE, EMBD_DIM), dtype=jnp.float32)
    pos_table = jax.random.normal(k3, (SEQ_LENGTH, EMBD_DIM), dtype=jnp.float32)
    return {"tokens": tokens, "tok_table": tok_table, "pos_table": pos_table}

def reference(tokens, tok_table, pos_table):
    B, T = tokens.shape
    tok = jnp.take(tok_table, tokens, axis=0)              # [B, T, D]
    pos = jnp.take(pos_table, jnp.arange(T), axis=0)       # [T, D]
    return tok + pos[None, :, :]

if __name__ == "__main__":
    import jax
    _d = setup_inputs()
    print(jax.jit(kernel)(*tuple(_d.values())))

</pallas_src>

<mosaic_0001>
#map = affine_map<(d0, d1) -> (0)>
#map1 = affine_map<(d0, d1) -> (0, 0)>
#map2 = affine_map<(d0, d1) -> (0, 0, 0)>
module attributes {stable_mosaic.version = 14 : i64} {
  func.func @k(%arg0: i32, %arg1: i32, %arg2: memref<8192xi32, #tpu.memory_space<hbm>>, %arg3: memref<64x100000xf32, #tpu.memory_space<hbm>>, %arg4: memref<64x2048xf32, #tpu.memory_space<hbm>>, %arg5: memref<4x64x2048xf32, #tpu.memory_space<hbm>>, %arg6: memref<8192xi32, #tpu.memory_space<vmem>>, %arg7: memref<100000xf32, #tpu.memory_space<vmem>>, %arg8: memref<2048xf32, #tpu.memory_space<vmem>>, %arg9: memref<2x4x2048xf32, #tpu.memory_space<vmem>>, %arg10: memref<!tpu.dma_semaphore, #tpu.memory_space<semaphore_mem>>, %arg11: memref<!tpu.dma_semaphore, #tpu.memory_space<semaphore_mem>>) attributes {dimension_semantics = [#tpu.dimension_semantics<core_parallel>, #tpu.dimension_semantics<subcore_parallel>], iteration_bounds = array<i64: 2, 16>, scalar_prefetch = 0 : i64, scratch_operands = 6 : i64, tpu.core_type = #tpu.core_type<sc_vector_subcore>, window_params = [{transform_indices = #map}, {transform_indices = #map1}, {transform_indices = #map1}, {transform_indices = #map2}]} {
    %mul3A = arith.constant 2 : i32
    %mul3A_0 = arith.muli %arg1, %mul3A : i32
    %add3A = arith.addi %mul3A_0, %arg0 : i32
    %mul3A_1 = arith.constant 2 : i32
    %mul3A_2 = arith.muli %add3A, %mul3A_1 : i32
    %dma_start3A = arith.constant 0 : i32
    %dma_start3A_3 = tpu.memref_slice %arg3[%mul3A_2, %dma_start3A] : memref<64x100000xf32, #tpu.memory_space<hbm>> -> memref<1x100000xf32, #tpu.memory_space<hbm>>
    %dma_start3A_4 = tpu.memref_squeeze %dma_start3A_3 : memref<1x100000xf32, #tpu.memory_space<hbm>> -> memref<100000xf32, #tpu.memory_space<hbm>>
    %dma_start3A_5 = arith.constant 0 : i32
    %dma_start3A_6 = tpu.memref_slice %arg3[%mul3A_2, %dma_start3A_5] : memref<64x100000xf32, #tpu.memory_space<hbm>> -> memref<1x100000xf32, #tpu.memory_space<hbm>>
    %dma_start3A_7 = tpu.memref_squeeze %dma_start3A_6 : memref<1x100000xf32, #tpu.memory_space<hbm>> -> memref<100000xf32, #tpu.memory_space<hbm>>
    tpu.enqueue_dma source(%dma_start3A_7 : memref<100000xf32, #tpu.memory_space<hbm>>) target(%arg7 : memref<100000xf32, #tpu.memory_space<vmem>>) target_semaphore(%arg10 : memref<!tpu.dma_semaphore, #tpu.memory_space<semaphore_mem>>)
    %mul3A_8 = arith.constant 2 : i32
    %mul3A_9 = arith.muli %add3A, %mul3A_8 : i32
    %dma_start3A_10 = arith.constant 0 : i32
    %dma_start3A_11 = tpu.memref_slice %arg4[%mul3A_9, %dma_start3A_10] : memref<64x2048xf32, #tpu.memory_space<hbm>> -> memref<1x2048xf32, #tpu.memory_space<hbm>>
    %dma_start3A_12 = tpu.memref_squeeze %dma_start3A_11 : memref<1x2048xf32, #tpu.memory_space<hbm>> -> memref<2048xf32, #tpu.memory_space<hbm>>
    %dma_start3A_13 = arith.constant 0 : i32
    %dma_start3A_14 = tpu.memref_slice %arg4[%mul3A_9, %dma_start3A_13] : memref<64x2048xf32, #tpu.memory_space<hbm>> -> memref<1x2048xf32, #tpu.memory_space<hbm>>
    %dma_start3A_15 = tpu.memref_squeeze %dma_start3A_14 : memref<1x2048xf32, #tpu.memory_space<hbm>> -> memref<2048xf32, #tpu.memory_space<hbm>>
    tpu.enqueue_dma source(%dma_start3A_15 : memref<2048xf32, #tpu.memory_space<hbm>>) target(%arg8 : memref<2048xf32, #tpu.memory_space<vmem>>) target_semaphore(%arg10 : memref<!tpu.dma_semaphore, #tpu.memory_space<semaphore_mem>>)
    "tpu.region"() ({
      %run_scoped3A = tpu.sem_alloc : memref<!tpu.dma_semaphore, #tpu.memory_space<semaphore_mem>>
      tpu.enqueue_dma source(%arg2 : memref<8192xi32, #tpu.memory_space<hbm>>) target(%arg6 : memref<8192xi32, #tpu.memory_space<vmem>>) target_semaphore(%run_scoped3A : memref<!tpu.dma_semaphore, #tpu.memory_space<semaphore_mem>>)
      tpu.wait_dma2 semaphore(%run_scoped3A : memref<!tpu.dma_semaphore, #tpu.memory_space<semaphore_mem>>) src(%arg2 : memref<8192xi32, #tpu.memory_space<hbm>>) dst(%arg6 : memref<8192xi32, #tpu.memory_space<vmem>>)
      tpu.yield
    }) : () -> ()
    %mul3A_16 = arith.constant 2 : i32
    %mul3A_17 = arith.muli %add3A, %mul3A_16 : i32
    %add3A_18 = arith.constant 0 : i32
    %add3A_19 = arith.addi %mul3A_17, %add3A_18 : i32
    %dma_wait3A = arith.constant 0 : i32
    %dma_wait3A_20 = tpu.memref_slice %arg3[%mul3A_2, %dma_wait3A] : memref<64x100000xf32, #tpu.memory_space<hbm>> -> memref<1x100000xf32, #tpu.memory_space<hbm>>
    %dma_wait3A_21 = tpu.memref_squeeze %dma_wait3A_20 : memref<1x100000xf32, #tpu.memory_space<hbm>> -> memref<100000xf32, #tpu.memory_space<hbm>>
    %dma_wait3A_22 = arith.constant 0 : i32
    %dma_wait3A_23 = tpu.memref_slice %arg3[%mul3A_2, %dma_wait3A_22] : memref<64x100000xf32, #tpu.memory_space<hbm>> -> memref<1x100000xf32, #tpu.memory_space<hbm>>
    %dma_wait3A_24 = tpu.memref_squeeze %dma_wait3A_23 : memref<1x100000xf32, #tpu.memory_space<hbm>> -> memref<100000xf32, #tpu.memory_space<hbm>>
    tpu.wait_dma2 semaphore(%arg10 : memref<!tpu.dma_semaphore, #tpu.memory_space<semaphore_mem>>) src(%dma_wait3A_24 : memref<100000xf32, #tpu.memory_space<hbm>>) dst(%arg7 : memref<100000xf32, #tpu.memory_space<vmem>>)
    %dma_wait3A_25 = arith.constant 0 : i32
    %dma_wait3A_26 = tpu.memref_slice %arg4[%mul3A_9, %dma_wait3A_25] : memref<64x2048xf32, #tpu.memory_space<hbm>> -> memref<1x2048xf32, #tpu.memory_space<hbm>>
    %dma_wait3A_27 = tpu.memref_squeeze %dma_wait3A_26 : memref<1x2048xf32, #tpu.memory_space<hbm>> -> memref<2048xf32, #tpu.memory_space<hbm>>
    %dma_wait3A_28 = arith.constant 0 : i32
    %dma_wait3A_29 = tpu.memref_slice %arg4[%mul3A_9, %dma_wait3A_28] : memref<64x2048xf32, #tpu.memory_space<hbm>> -> memref<1x2048xf32, #tpu.memory_space<hbm>>
    %dma_wait3A_30 = tpu.memref_squeeze %dma_wait3A_29 : memref<1x2048xf32, #tpu.memory_space<hbm>> -> memref<2048xf32, #tpu.memory_space<hbm>>
    tpu.wait_dma2 semaphore(%arg10 : memref<!tpu.dma_semaphore, #tpu.memory_space<semaphore_mem>>) src(%dma_wait3A_30 : memref<2048xf32, #tpu.memory_space<hbm>>) dst(%arg8 : memref<2048xf32, #tpu.memory_space<vmem>>)
    %scan3A = arith.constant 0 : i32
    %scan3A_31 = arith.constant 0 : i32
    %scan3A_32 = arith.constant 128 : i32
    %scan3A_33 = arith.addi %scan3A_31, %scan3A_32 : i32
    %scan3A_34 = arith.constant 1 : i32
    scf.for %scan3A_202 = %scan3A_31 to %scan3A_33 step %scan3A_34  : i32 {
      %mul3A_203 = arith.constant 16 : i32
      %mul3A_204 = arith.muli %scan3A_202, %mul3A_203 : i32
      %get3A = arith.index_cast %mul3A_204 : i32 to index
      %get3A_205 = tpu.vector_load %arg8[%get3A] {strides = array<i32>} : memref<2048xf32, #tpu.memory_space<vmem>>, vector<16xf32>,
      %add3A_206 = arith.constant 0 : i32
      %add3A_207 = arith.addi %add3A_206, %mul3A_204 : i32
      %get3A_208 = arith.index_cast %add3A_207 : i32 to index
      %get3A_209 = tpu.vector_load %arg6[%get3A_208] {strides = array<i32>} : memref<8192xi32, #tpu.memory_space<vmem>>, vector<16xi32>,
      %gather3A = tpu.vector_load_idx %arg7[%get3A_209] : memref<100000xf32, #tpu.memory_space<vmem>>[vector<16xi32>], vector<16xf32>,
      %add3A_210 = arith.addf %gather3A, %get3A_205 : vector<16xf32>
      %swap3A = arith.constant 0 : i32
      %swap3A_211 = arith.constant 0 : i32
      %swap3A_212 = arith.index_cast %swap3A : i32 to index
      %swap3A_213 = arith.index_cast %swap3A_211 : i32 to index
      %swap3A_214 = arith.index_cast %mul3A_204 : i32 to index
      %swap3A_215 = tpu.vector_load %arg9[%swap3A_212, %swap3A_213, %swap3A_214] {strides = array<i32>} : memref<2x4x2048xf32, #tpu.memory_space<vmem>>, vector<16xf32>,
      tpu.vector_store %arg9[%swap3A_212, %swap3A_213, %swap3A_214], %add3A_210 {strides = array<i32>} : memref<2x4x2048xf32, #tpu.memory_space<vmem>>, vector<16xf32>,
      %add3A_216 = arith.constant 2048 : i32
      %add3A_217 = arith.addi %add3A_216, %mul3A_204 : i32
      %get3A_218 = arith.index_cast %add3A_217 : i32 to index
      %get3A_219 = tpu.vector_load %arg6[%get3A_218] {strides = array<i32>} : memref<8192xi32, #tpu.memory_space<vmem>>, vector<16xi32>,
      %gather3A_220 = tpu.vector_load_idx %arg7[%get3A_219] : memref<100000xf32, #tpu.memory_space<vmem>>[vector<16xi32>], vector<16xf32>,
      %add3A_221 = arith.addf %gather3A_220, %get3A_205 : vector<16xf32>
      %swap3A_222 = arith.constant 0 : i32
      %swap3A_223 = arith.constant 1 : i32
      %swap3A_224 = arith.index_cast %swap3A_222 : i32 to index
      %swap3A_225 = arith.index_cast %swap3A_223 : i32 to index
      %swap3A_226 = arith.index_cast %mul3A_204 : i32 to index
      %swap3A_227 = tpu.vector_load %arg9[%swap3A_224, %swap3A_225, %swap3A_226] {strides = array<i32>} : memref<2x4x2048xf32, #tpu.memory_space<vmem>>, vector<16xf32>,
      tpu.vector_store %arg9[%swap3A_224, %swap3A_225, %swap3A_226], %add3A_221 {strides = array<i32>} : memref<2x4x2048xf32, #tpu.memory_space<vmem>>, vector<16xf32>,
      %add3A_228 = arith.constant 4096 : i32
      %add3A_229 = arith.addi %add3A_228, %mul3A_204 : i32
      %get3A_230 = arith.index_cast %add3A_229 : i32 to index
      %get3A_231 = tpu.vector_load %arg6[%get3A_230] {strides = array<i32>} : memref<8192xi32, #tpu.memory_space<vmem>>, vector<16xi32>,
      %gather3A_232 = tpu.vector_load_idx %arg7[%get3A_231] : memref<100000xf32, #tpu.memory_space<vmem>>[vector<16xi32>], vector<16xf32>,
      %add3A_233 = arith.addf %gather3A_232, %get3A_205 : vector<16xf32>
      %swap3A_234 = arith.constant 0 : i32
      %swap3A_235 = arith.constant 2 : i32
      %swap3A_236 = arith.index_cast %swap3A_234 : i32 to index
      %swap3A_237 = arith.index_cast %swap3A_235 : i32 to index
      %swap3A_238 = arith.index_cast %mul3A_204 : i32 to index
      %swap3A_239 = tpu.vector_load %arg9[%swap3A_236, %swap3A_237, %swap3A_238] {strides = array<i32>} : memref<2x4x2048xf32, #tpu.memory_space<vmem>>, vector<16xf32>,
      tpu.vector_store %arg9[%swap3A_236, %swap3A_237, %swap3A_238], %add3A_233 {strides = array<i32>} : memref<2x4x2048xf32, #tpu.memory_space<vmem>>, vector<16xf32>,
      %add3A_240 = arith.constant 6144 : i32
      %add3A_241 = arith.addi %add3A_240, %mul3A_204 : i32
      %get3A_242 = arith.index_cast %add3A_241 : i32 to index
      %get3A_243 = tpu.vector_load %arg6[%get3A_242] {strides = array<i32>} : memref<8192xi32, #tpu.memory_space<vmem>>, vector<16xi32>,
      %gather3A_244 = tpu.vector_load_idx %arg7[%get3A_243] : memref<100000xf32, #tpu.memory_space<vmem>>[vector<16xi32>], vector<16xf32>,
      %add3A_245 = arith.addf %gather3A_244, %get3A_205 : vector<16xf32>
      %swap3A_246 = arith.constant 0 : i32
      %swap3A_247 = arith.constant 3 : i32
      %swap3A_248 = arith.index_cast %swap3A_246 : i32 to index
      %swap3A_249 = arith.index_cast %swap3A_247 : i32 to index
      %swap3A_250 = arith.index_cast %mul3A_204 : i32 to index
      %swap3A_251 = tpu.vector_load %arg9[%swap3A_248, %swap3A_249, %swap3A_250] {strides = array<i32>} : memref<2x4x2048xf32, #tpu.memory_space<vmem>>, vector<16xf32>,
      tpu.vector_store %arg9[%swap3A_248, %swap3A_249, %swap3A_250], %add3A_245 {strides = array<i32>} : memref<2x4x2048xf32, #tpu.memory_space<vmem>>, vector<16xf32>,
    }
    %scan3A_35 = arith.constant 128 : i32
    %add3A_36 = arith.constant 1 : i32
    %add3A_37 = arith.addi %add3A_19, %add3A_36 : i32
    %dma_start3A_38 = arith.constant 0 : i32
    %dma_start3A_39 = tpu.memref_slice %arg3[%add3A_37, %dma_start3A_38] : memref<64x100000xf32, #tpu.memory_space<hbm>> -> memref<1x100000xf32, #tpu.memory_space<hbm>>
    %dma_start3A_40 = tpu.memref_squeeze %dma_start3A_39 : memref<1x100000xf32, #tpu.memory_space<hbm>> -> memref<100000xf32, #tpu.memory_space<hbm>>
    %dma_start3A_41 = arith.constant 0 : i32
    %dma_start3A_42 = tpu.memref_slice %arg3[%add3A_37, %dma_start3A_41] : memref<64x100000xf32, #tpu.memory_space<hbm>> -> memref<1x100000xf32, #tpu.memory_space<hbm>>
    %dma_start3A_43 = tpu.memref_squeeze %dma_start3A_42 : memref<1x100000xf32, #tpu.memory_space<hbm>> -> memref<100000xf32, #tpu.memory_space<hbm>>
    tpu.enqueue_dma source(%dma_start3A_43 : memref<100000xf32, #tpu.memory_space<hbm>>) target(%arg7 : memref<100000xf32, #tpu.memory_space<vmem>>) target_semaphore(%arg10 : memref<!tpu.dma_semaphore, #tpu.memory_space<semaphore_mem>>)
    %add3A_44 = arith.constant 1 : i32
    %add3A_45 = arith.addi %add3A_19, %add3A_44 : i32
    %dma_start3A_46 = arith.constant 0 : i32
    %dma_start3A_47 = tpu.memref_slice %arg4[%add3A_45, %dma_start3A_46] : memref<64x2048xf32, #tpu.memory_space<hbm>> -> memref<1x2048xf32, #tpu.memory_space<hbm>>
    %dma_start3A_48 = tpu.memref_squeeze %dma_start3A_47 : memref<1x2048xf32, #tpu.memory_space<hbm>> -> memref<2048xf32, #tpu.memory_space<hbm>>
    %dma_start3A_49 = arith.constant 0 : i32
    %dma_start3A_50 = tpu.memref_slice %arg4[%add3A_45, %dma_start3A_49] : memref<64x2048xf32, #tpu.memory_space<hbm>> -> memref<1x2048xf32, #tpu.memory_space<hbm>>
    %dma_start3A_51 = tpu.memref_squeeze %dma_start3A_50 : memref<1x2048xf32, #tpu.memory_space<hbm>> -> memref<2048xf32, #tpu.memory_space<hbm>>
    tpu.enqueue_dma source(%dma_start3A_51 : memref<2048xf32, #tpu.memory_space<hbm>>) target(%arg8 : memref<2048xf32, #tpu.memory_space<vmem>>) target_semaphore(%arg10 : memref<!tpu.dma_semaphore, #tpu.memory_space<semaphore_mem>>)
    %dma_start3A_52 = arith.constant 0 : i32
    %dma_start3A_53 = arith.constant 0 : i32
    %dma_start3A_54 = arith.constant 0 : i32
    %dma_start3A_55 = arith.constant 0 : i32
    %dma_start3A_56 = tpu.memref_slice %arg9[%dma_start3A_52, %dma_start3A_53, %dma_start3A_55] : memref<2x4x2048xf32, #tpu.memory_space<vmem>> -> memref<1x1x2048xf32, #tpu.memory_space<vmem>>
    %dma_start3A_57 = tpu.memref_squeeze %dma_start3A_56 : memref<1x1x2048xf32, #tpu.memory_space<vmem>> -> memref<2048xf32, #tpu.memory_space<vmem>>
    %dma_start3A_58 = arith.constant 0 : i32
    %dma_start3A_59 = tpu.memref_slice %arg5[%dma_start3A_54, %add3A_19, %dma_start3A_58] : memref<4x64x2048xf32, #tpu.memory_space<hbm>> -> memref<1x1x2048xf32, #tpu.memory_space<hbm>>
    %dma_start3A_60 = tpu.memref_squeeze %dma_start3A_59 : memref<1x1x2048xf32, #tpu.memory_space<hbm>> -> memref<2048xf32, #tpu.memory_space<hbm>>
    %dma_start3A_61 = arith.constant 0 : i32
    %dma_start3A_62 = tpu.memref_slice %arg5[%dma_start3A_54, %add3A_19, %dma_start3A_61] : memref<4x64x2048xf32, #tpu.memory_space<hbm>> -> memref<1x1x2048xf32, #tpu.memory_space<hbm>>
    %dma_start3A_63 = tpu.memref_squeeze %dma_start3A_62 : memref<1x1x2048xf32, #tpu.memory_space<hbm>> -> memref<2048xf32, #tpu.memory_space<hbm>>
    %dma_start3A_64 = arith.constant 0 : i32
    %dma_start3A_65 = tpu.memref_slice %arg9[%dma_start3A_52, %dma_start3A_53, %dma_start3A_64] : memref<2x4x2048xf32, #tpu.memory_space<vmem>> -> memref<1x1x2048xf32, #tpu.memory_space<vmem>>
    %dma_start3A_66 = tpu.memref_squeeze %dma_start3A_65 : memref<1x1x2048xf32, #tpu.memory_space<vmem>> -> memref<2048xf32, #tpu.memory_space<vmem>>
    tpu.enqueue_dma source(%dma_start3A_66 : memref<2048xf32, #tpu.memory_space<vmem>>) target(%dma_start3A_63 : memref<2048xf32, #tpu.memory_space<hbm>>) target_semaphore(%arg11 : memref<!tpu.dma_semaphore, #tpu.memory_space<semaphore_mem>>)
    %dma_start3A_67 = arith.constant 0 : i32
    %dma_start3A_68 = arith.constant 1 : i32
    %dma_start3A_69 = arith.constant 1 : i32
    %dma_start3A_70 = arith.constant 0 : i32
    %dma_start3A_71 = tpu.memref_slice %arg9[%dma_start3A_67, %dma_start3A_68, %dma_start3A_70] : memref<2x4x2048xf32, #tpu.memory_space<vmem>> -> memref<1x1x2048xf32, #tpu.memory_space<vmem>>
    %dma_start3A_72 = tpu.memref_squeeze %dma_start3A_71 : memref<1x1x2048xf32, #tpu.memory_space<vmem>> -> memref<2048xf32, #tpu.memory_space<vmem>>
    %dma_start3A_73 = arith.constant 0 : i32
    %dma_start3A_74 = tpu.memref_slice %arg5[%dma_start3A_69, %add3A_19, %dma_start3A_73] : memref<4x64x2048xf32, #tpu.memory_space<hbm>> -> memref<1x1x2048xf32, #tpu.memory_space<hbm>>
    %dma_start3A_75 = tpu.memref_squeeze %dma_start3A_74 : memref<1x1x2048xf32, #tpu.memory_space<hbm>> -> memref<2048xf32, #tpu.memory_space<hbm>>
    %dma_start3A_76 = arith.constant 0 : i32
    %dma_start3A_77 = tpu.memref_slice %arg5[%dma_start3A_69, %add3A_19, %dma_start3A_76] : memref<4x64x2048xf32, #tpu.memory_space<hbm>> -> memref<1x1x2048xf32, #tpu.memory_space<hbm>>
    %dma_start3A_78 = tpu.memref_squeeze %dma_start3A_77 : memref<1x1x2048xf32, #tpu.memory_space<hbm>> -> memref<2048xf32, #tpu.memory_space<hbm>>
    %dma_start3A_79 = arith.constant 0 : i32
    %dma_start3A_80 = tpu.memref_slice %arg9[%dma_start3A_67, %dma_start3A_68, %dma_start3A_79] : memref<2x4x2048xf32, #tpu.memory_space<vmem>> -> memref<1x1x2048xf32, #tpu.memory_space<vmem>>
    %dma_start3A_81 = tpu.memref_squeeze %dma_start3A_80 : memref<1x1x2048xf32, #tpu.memory_space<vmem>> -> memref<2048xf32, #tpu.memory_space<vmem>>
    tpu.enqueue_dma source(%dma_start3A_81 : memref<2048xf32, #tpu.memory_space<vmem>>) target(%dma_start3A_78 : memref<2048xf32, #tpu.memory_space<hbm>>) target_semaphore(%arg11 : memref<!tpu.dma_semaphore, #tpu.memory_space<semaphore_mem>>)
    %dma_start3A_82 = arith.constant 0 : i32
    %dma_start3A_83 = arith.constant 2 : i32
    %dma_start3A_84 = arith.constant 2 : i32
    %dma_start3A_85 = arith.constant 0 : i32
    %dma_start3A_86 = tpu.memref_slice %arg9[%dma_start3A_82, %dma_start3A_83, %dma_start3A_85] : memref<2x4x2048xf32, #tpu.memory_space<vmem>> -> memref<1x1x2048xf32, #tpu.memory_space<vmem>>
    %dma_start3A_87 = tpu.memref_squeeze %dma_start3A_86 : memref<1x1x2048xf32, #tpu.memory_space<vmem>> -> memref<2048xf32, #tpu.memory_space<vmem>>
    %dma_start3A_88 = arith.constant 0 : i32
    %dma_start3A_89 = tpu.memref_slice %arg5[%dma_start3A_84, %add3A_19, %dma_start3A_88] : memref<4x64x2048xf32, #tpu.memory_space<hbm>> -> memref<1x1x2048xf32, #tpu.memory_space<hbm>>
    %dma_start3A_90 = tpu.memref_squeeze %dma_start3A_89 : memref<1x1x2048xf32, #tpu.memory_space<hbm>> -> memref<2048xf32, #tpu.memory_space<hbm>>
    %dma_start3A_91 = arith.constant 0 : i32
    %dma_start3A_92 = tpu.memref_slice %arg5[%dma_start3A_84, %add3A_19, %dma_start3A_91] : memref<4x64x2048xf32, #tpu.memory_space<hbm>> -> memref<1x1x2048xf32, #tpu.memory_space<hbm>>
    %dma_start3A_93 = tpu.memref_squeeze %dma_start3A_92 : memref<1x1x2048xf32, #tpu.memory_space<hbm>> -> memref<2048xf32, #tpu.memory_space<hbm>>
    %dma_start3A_94 = arith.constant 0 : i32
    %dma_start3A_95 = tpu.memref_slice %arg9[%dma_start3A_82, %dma_start3A_83, %dma_start3A_94] : memref<2x4x2048xf32, #tpu.memory_space<vmem>> -> memref<1x1x2048xf32, #tpu.memory_space<vmem>>
    %dma_start3A_96 = tpu.memref_squeeze %dma_start3A_95 : memref<1x1x2048xf32, #tpu.memory_space<vmem>> -> memref<2048xf32, #tpu.memory_space<vmem>>
    tpu.enqueue_dma source(%dma_start3A_96 : memref<2048xf32, #tpu.memory_space<vmem>>) target(%dma_start3A_93 : memref<2048xf32, #tpu.memory_space<hbm>>) target_semaphore(%arg11 : memref<!tpu.dma_semaphore, #tpu.memory_space<semaphore_mem>>)
    %dma_start3A_97 = arith.constant 0 : i32
    %dma_start3A_98 = arith.constant 3 : i32
    %dma_start3A_99 = arith.constant 3 : i32
    %dma_start3A_100 = arith.constant 0 : i32
    %dma_start3A_101 = tpu.memref_slice %arg9[%dma_start3A_97, %dma_start3A_98, %dma_start3A_100] : memref<2x4x2048xf32, #tpu.memory_space<vmem>> -> memref<1x1x2048xf32, #tpu.memory_space<vmem>>
    %dma_start3A_102 = tpu.memref_squeeze %dma_start3A_101 : memref<1x1x2048xf32, #tpu.memory_space<vmem>> -> memref<2048xf32, #tpu.memory_space<vmem>>
    %dma_start3A_103 = arith.constant 0 : i32
    %dma_start3A_104 = tpu.memref_slice %arg5[%dma_start3A_99, %add3A_19, %dma_start3A_103] : memref<4x64x2048xf32, #tpu.memory_space<hbm>> -> memref<1x1x2048xf32, #tpu.memory_space<hbm>>
    %dma_start3A_105 = tpu.memref_squeeze %dma_start3A_104 : memref<1x1x2048xf32, #tpu.memory_space<hbm>> -> memref<2048xf32, #tpu.memory_space<hbm>>
    %dma_start3A_106 = arith.constant 0 : i32
    %dma_start3A_107 = tpu.memref_slice %arg5[%dma_start3A_99, %add3A_19, %dma_start3A_106] : memref<4x64x2048xf32, #tpu.memory_space<hbm>> -> memref<1x1x2048xf32, #tpu.memory_space<hbm>>
    %dma_start3A_108 = tpu.memref_squeeze %dma_start3A_107 : memref<1x1x2048xf32, #tpu.memory_space<hbm>> -> memref<2048xf32, #tpu.memory_space<hbm>>
    %dma_start3A_109 = arith.constant 0 : i32
    %dma_start3A_110 = tpu.memref_slice %arg9[%dma_start3A_97, %dma_start3A_98, %dma_start3A_109] : memref<2x4x2048xf32, #tpu.memory_space<vmem>> -> memref<1x1x2048xf32, #tpu.memory_space<vmem>>
    %dma_start3A_111 = tpu.memref_squeeze %dma_start3A_110 : memref<1x1x2048xf32, #tpu.memory_space<vmem>> -> memref<2048xf32, #tpu.memory_space<vmem>>
    tpu.enqueue_dma source(%dma_start3A_111 : memref<2048xf32, #tpu.memory_space<vmem>>) target(%dma_start3A_108 : memref<2048xf32, #tpu.memory_space<hbm>>) target_semaphore(%arg11 : memref<!tpu.dma_semaphore, #tpu.memory_space<semaphore_mem>>)
    %mul3A_112 = arith.constant 2 : i32
    %mul3A_113 = arith.muli %add3A, %mul3A_112 : i32
    %add3A_114 = arith.constant 1 : i32
    %add3A_115 = arith.addi %mul3A_113, %add3A_114 : i32
    %dma_wait3A_116 = arith.constant 0 : i32
    %dma_wait3A_117 = tpu.memref_slice %arg3[%add3A_37, %dma_wait3A_116] : memref<64x100000xf32, #tpu.memory_space<hbm>> -> memref<1x100000xf32, #tpu.memory_space<hbm>>
    %dma_wait3A_118 = tpu.memref_squeeze %dma_wait3A_117 : memref<1x100000xf32, #tpu.memory_space<hbm>> -> memref<100000xf32, #tpu.memory_space<hbm>>
    %dma_wait3A_119 = arith.constant 0 : i32
    %dma_wait3A_120 = tpu.memref_slice %arg3[%add3A_37, %dma_wait3A_119] : memref<64x100000xf32, #tpu.memory_space<hbm>> -> memref<1x100000xf32, #tpu.memory_space<hbm>>
    %dma_wait3A_121 = tpu.memref_squeeze %dma_wait3A_120 : memref<1x100000xf32, #tpu.memory_space<hbm>> -> memref<100000xf32, #tpu.memory_space<hbm>>
    tpu.wait_dma2 semaphore(%arg10 : memref<!tpu.dma_semaphore, #tpu.memory_space<semaphore_mem>>) src(%dma_wait3A_121 : memref<100000xf32, #tpu.memory_space<hbm>>) dst(%arg7 : memref<100000xf32, #tpu.memory_space<vmem>>)
    %dma_wait3A_122 = arith.constant 0 : i32
    %dma_wait3A_123 = tpu.memref_slice %arg4[%add3A_45, %dma_wait3A_122] : memref<64x2048xf32, #tpu.memory_space<hbm>> -> memref<1x2048xf32, #tpu.memory_space<hbm>>
    %dma_wait3A_124 = tpu.memref_squeeze %dma_wait3A_123 : memref<1x2048xf32, #tpu.memory_space<hbm>> -> memref<2048xf32, #tpu.memory_space<hbm>>
    %dma_wait3A_125 = arith.constant 0 : i32
    %dma_wait3A_126 = tpu.memref_slice %arg4[%add3A_45, %dma_wait3A_125] : memref<64x2048xf32, #tpu.memory_space<hbm>> -> memref<1x2048xf32, #tpu.memory_space<hbm>>
    %dma_wait3A_127 = tpu.memref_squeeze %dma_wait3A_126 : memref<1x2048xf32, #tpu.memory_space<hbm>> -> memref<2048xf32, #tpu.memory_space<hbm>>
    tpu.wait_dma2 semaphore(%arg10 : memref<!tpu.dma_semaphore, #tpu.memory_space<semaphore_mem>>) src(%dma_wait3A_127 : memref<2048xf32, #tpu.memory_space<hbm>>) dst(%arg8 : memref<2048xf32, #tpu.memory_space<vmem>>)
    %scan3A_128 = arith.constant 0 : i32
    %scan3A_129 = arith.constant 0 : i32
    %scan3A_130 = arith.constant 128 : i32
    %scan3A_131 = arith.addi %scan3A_129, %scan3A_130 : i32
    %scan3A_132 = arith.constant 1 : i32
    scf.for %scan3A_202 = %scan3A_129 to %scan3A_131 step %scan3A_132  : i32 {
      %mul3A_203 = arith.constant 16 : i32
      %mul3A_204 = arith.muli %scan3A_202, %mul3A_203 : i32
      %get3A = arith.index_cast %mul3A_204 : i32 to index
      %get3A_205 = tpu.vector_load %arg8[%get3A] {strides = array<i32>} : memref<2048xf32, #tpu.memory_space<vmem>>, vector<16xf32>,
      %add3A_206 = arith.constant 0 : i32
      %add3A_207 = arith.addi %add3A_206, %mul3A_204 : i32
      %get3A_208 = arith.index_cast %add3A_207 : i32 to index
      %get3A_209 = tpu.vector_load %arg6[%get3A_208] {strides = array<i32>} : memref<8192xi32, #tpu.memory_space<vmem>>, vector<16xi32>,
      %gather3A = tpu.vector_load_idx %arg7[%get3A_209] : memref<100000xf32, #tpu.memory_space<vmem>>[vector<16xi32>], vector<16xf32>,
      %add3A_210 = arith.addf %gather3A, %get3A_205 : vector<16xf32>
      %swap3A = arith.constant 1 : i32
      %swap3A_211 = arith.constant 0 : i32
      %swap3A_212 = arith.index_cast %swap3A : i32 to index
      %swap3A_213 = arith.index_cast %swap3A_211 : i32 to index
      %swap3A_214 = arith.index_cast %mul3A_204 : i32 to index
      %swap3A_215 = tpu.vector_load %arg9[%swap3A_212, %swap3A_213, %swap3A_214] {strides = array<i32>} : memref<2x4x2048xf32, #tpu.memory_space<vmem>>, vector<16xf32>,
      tpu.vector_store %arg9[%swap3A_212, %swap3A_213, %swap3A_214], %add3A_210 {strides = array<i32>} : memref<2x4x2048xf32, #tpu.memory_space<vmem>>, vector<16xf32>,
      %add3A_216 = arith.constant 2048 : i32
      %add3A_217 = arith.addi %add3A_216, %mul3A_204 : i32
      %get3A_218 = arith.index_cast %add3A_217 : i32 to index
      %get3A_219 = tpu.vector_load %arg6[%get3A_218] {strides = array<i32>} : memref<8192xi32, #tpu.memory_space<vmem>>, vector<16xi32>,
      %gather3A_220 = tpu.vector_load_idx %arg7[%get3A_219] : memref<100000xf32, #tpu.memory_space<vmem>>[vector<16xi32>], vector<16xf32>,
      %add3A_221 = arith.addf %gather3A_220, %get3A_205 : vector<16xf32>
      %swap3A_222 = arith.constant 1 : i32
      %swap3A_223 = arith.constant 1 : i32
      %swap3A_224 = arith.index_cast %swap3A_222 : i32 to index
      %swap3A_225 = arith.index_cast %swap3A_223 : i32 to index
      %swap3A_226 = arith.index_cast %mul3A_204 : i32 to index
      %swap3A_227 = tpu.vector_load %arg9[%swap3A_224, %swap3A_225, %swap3A_226] {strides = array<i32>} : memref<2x4x2048xf32, #tpu.memory_space<vmem>>, vector<16xf32>,
      tpu.vector_store %arg9[%swap3A_224, %swap3A_225, %swap3A_226], %add3A_221 {strides = array<i32>} : memref<2x4x2048xf32, #tpu.memory_space<vmem>>, vector<16xf32>,
      %add3A_228 = arith.constant 4096 : i32
      %add3A_229 = arith.addi %add3A_228, %mul3A_204 : i32
      %get3A_230 = arith.index_cast %add3A_229 : i32 to index
      %get3A_231 = tpu.vector_load %arg6[%get3A_230] {strides = array<i32>} : memref<8192xi32, #tpu.memory_space<vmem>>, vector<16xi32>,
      %gather3A_232 = tpu.vector_load_idx %arg7[%get3A_231] : memref<100000xf32, #tpu.memory_space<vmem>>[vector<16xi32>], vector<16xf32>,
      %add3A_233 = arith.addf %gather3A_232, %get3A_205 : vector<16xf32>
      %swap3A_234 = arith.constant 1 : i32
      %swap3A_235 = arith.constant 2 : i32
      %swap3A_236 = arith.index_cast %swap3A_234 : i32 to index
      %swap3A_237 = arith.index_cast %swap3A_235 : i32 to index
      %swap3A_238 = arith.index_cast %mul3A_204 : i32 to index
      %swap3A_239 = tpu.vector_load %arg9[%swap3A_236, %swap3A_237, %swap3A_238] {strides = array<i32>} : memref<2x4x2048xf32, #tpu.memory_space<vmem>>, vector<16xf32>,
      tpu.vector_store %arg9[%swap3A_236, %swap3A_237, %swap3A_238], %add3A_233 {strides = array<i32>} : memref<2x4x2048xf32, #tpu.memory_space<vmem>>, vector<16xf32>,
      %add3A_240 = arith.constant 6144 : i32
      %add3A_241 = arith.addi %add3A_240, %mul3A_204 : i32
      %get3A_242 = arith.index_cast %add3A_241 : i32 to index
      %get3A_243 = tpu.vector_load %arg6[%get3A_242] {strides = array<i32>} : memref<8192xi32, #tpu.memory_space<vmem>>, vector<16xi32>,
      %gather3A_244 = tpu.vector_load_idx %arg7[%get3A_243] : memref<100000xf32, #tpu.memory_space<vmem>>[vector<16xi32>], vector<16xf32>,
      %add3A_245 = arith.addf %gather3A_244, %get3A_205 : vector<16xf32>
      %swap3A_246 = arith.constant 1 : i32
      %swap3A_247 = arith.constant 3 : i32
      %swap3A_248 = arith.index_cast %swap3A_246 : i32 to index
      %swap3A_249 = arith.index_cast %swap3A_247 : i32 to index
      %swap3A_250 = arith.index_cast %mul3A_204 : i32 to index
      %swap3A_251 = tpu.vector_load %arg9[%swap3A_248, %swap3A_249, %swap3A_250] {strides = array<i32>} : memref<2x4x2048xf32, #tpu.memory_space<vmem>>, vector<16xf32>,
      tpu.vector_store %arg9[%swap3A_248, %swap3A_249, %swap3A_250], %add3A_245 {strides = array<i32>} : memref<2x4x2048xf32, #tpu.memory_space<vmem>>, vector<16xf32>,
    }
    %scan3A_133 = arith.constant 128 : i32
    %dma_start3A_134 = arith.constant 1 : i32
    %dma_start3A_135 = arith.constant 0 : i32
    %dma_start3A_136 = arith.constant 0 : i32
    %dma_start3A_137 = arith.constant 0 : i32
    %dma_start3A_138 = tpu.memref_slice %arg9[%dma_start3A_134, %dma_start3A_135, %dma_start3A_137] : memref<2x4x2048xf32, #tpu.memory_space<vmem>> -> memref<1x1x2048xf32, #tpu.memory_space<vmem>>
    %dma_start3A_139 = tpu.memref_squeeze %dma_start3A_138 : memref<1x1x2048xf32, #tpu.memory_space<vmem>> -> memref<2048xf32, #tpu.memory_space<vmem>>
    %dma_start3A_140 = arith.constant 0 : i32
    %dma_start3A_141 = tpu.memref_slice %arg5[%dma_start3A_136, %add3A_115, %dma_start3A_140] : memref<4x64x2048xf32, #tpu.memory_space<hbm>> -> memref<1x1x2048xf32, #tpu.memory_space<hbm>>
    %dma_start3A_142 = tpu.memref_squeeze %dma_start3A_141 : memref<1x1x2048xf32, #tpu.memory_space<hbm>> -> memref<2048xf32, #tpu.memory_space<hbm>>
    %dma_start3A_143 = arith.constant 0 : i32
    %dma_start3A_144 = tpu.memref_slice %arg5[%dma_start3A_136, %add3A_115, %dma_start3A_143] : memref<4x64x2048xf32, #tpu.memory_space<hbm>> -> memref<1x1x2048xf32, #tpu.memory_space<hbm>>
    %dma_start3A_145 = tpu.memref_squeeze %dma_start3A_144 : memref<1x1x2048xf32, #tpu.memory_space<hbm>> -> memref<2048xf32, #tpu.memory_space<hbm>>
    %dma_start3A_146 = arith.constant 0 : i32
    %dma_start3A_147 = tpu.memref_slice %arg9[%dma_start3A_134, %dma_start3A_135, %dma_start3A_146] : memref<2x4x2048xf32, #tpu.memory_space<vmem>> -> memref<1x1x2048xf32, #tpu.memory_space<vmem>>
    %dma_start3A_148 = tpu.memref_squeeze %dma_start3A_147 : memref<1x1x2048xf32, #tpu.memory_space<vmem>> -> memref<2048xf32, #tpu.memory_space<vmem>>
    tpu.enqueue_dma source(%dma_start3A_148 : memref<2048xf32, #tpu.memory_space<vmem>>) target(%dma_start3A_145 : memref<2048xf32, #tpu.memory_space<hbm>>) target_semaphore(%arg11 : memref<!tpu.dma_semaphore, #tpu.memory_space<semaphore_mem>>)
    %dma_start3A_149 = arith.constant 1 : i32
    %dma_start3A_150 = arith.constant 1 : i32
    %dma_start3A_151 = arith.constant 1 : i32
    %dma_start3A_152 = arith.constant 0 : i32
    %dma_start3A_153 = tpu.memref_slice %arg9[%dma_start3A_149, %dma_start3A_150, %dma_start3A_152] : memref<2x4x2048xf32, #tpu.memory_space<vmem>> -> memref<1x1x2048xf32, #tpu.memory_space<vmem>>
    %dma_start3A_154 = tpu.memref_squeeze %dma_start3A_153 : memref<1x1x2048xf32, #tpu.memory_space<vmem>> -> memref<2048xf32, #tpu.memory_space<vmem>>
    %dma_start3A_155 = arith.constant 0 : i32
    %dma_start3A_156 = tpu.memref_slice %arg5[%dma_start3A_151, %add3A_115, %dma_start3A_155] : memref<4x64x2048xf32, #tpu.memory_space<hbm>> -> memref<1x1x2048xf32, #tpu.memory_space<hbm>>
    %dma_start3A_157 = tpu.memref_squeeze %dma_start3A_156 : memref<1x1x2048xf32, #tpu.memory_space<hbm>> -> memref<2048xf32, #tpu.memory_space<hbm>>
    %dma_start3A_158 = arith.constant 0 : i32
    %dma_start3A_159 = tpu.memref_slice %arg5[%dma_start3A_151, %add3A_115, %dma_start3A_158] : memref<4x64x2048xf32, #tpu.memory_space<hbm>> -> memref<1x1x2048xf32, #tpu.memory_space<hbm>>
    %dma_start3A_160 = tpu.memref_squeeze %dma_start3A_159 : memref<1x1x2048xf32, #tpu.memory_space<hbm>> -> memref<2048xf32, #tpu.memory_space<hbm>>
    %dma_start3A_161 = arith.constant 0 : i32
    %dma_start3A_162 = tpu.memref_slice %arg9[%dma_start3A_149, %dma_start3A_150, %dma_start3A_161] : memref<2x4x2048xf32, #tpu.memory_space<vmem>> -> memref<1x1x2048xf32, #tpu.memory_space<vmem>>
    %dma_start3A_163 = tpu.memref_squeeze %dma_start3A_162 : memref<1x1x2048xf32, #tpu.memory_space<vmem>> -> memref<2048xf32, #tpu.memory_space<vmem>>
    tpu.enqueue_dma source(%dma_start3A_163 : memref<2048xf32, #tpu.memory_space<vmem>>) target(%dma_start3A_160 : memref<2048xf32, #tpu.memory_space<hbm>>) target_semaphore(%arg11 : memref<!tpu.dma_semaphore, #tpu.memory_space<semaphore_mem>>)
    %dma_start3A_164 = arith.constant 1 : i32
    %dma_start3A_165 = arith.constant 2 : i32
    %dma_start3A_166 = arith.constant 2 : i32
    %dma_start3A_167 = arith.constant 0 : i32
    %dma_start3A_168 = tpu.memref_slice %arg9[%dma_start3A_164, %dma_start3A_165, %dma_start3A_167] : memref<2x4x2048xf32, #tpu.memory_space<vmem>> -> memref<1x1x2048xf32, #tpu.memory_space<vmem>>
    %dma_start3A_169 = tpu.memref_squeeze %dma_start3A_168 : memref<1x1x2048xf32, #tpu.memory_space<vmem>> -> memref<2048xf32, #tpu.memory_space<vmem>>
    %dma_start3A_170 = arith.constant 0 : i32
    %dma_start3A_171 = tpu.memref_slice %arg5[%dma_start3A_166, %add3A_115, %dma_start3A_170] : memref<4x64x2048xf32, #tpu.memory_space<hbm>> -> memref<1x1x2048xf32, #tpu.memory_space<hbm>>
    %dma_start3A_172 = tpu.memref_squeeze %dma_start3A_171 : memref<1x1x2048xf32, #tpu.memory_space<hbm>> -> memref<2048xf32, #tpu.memory_space<hbm>>
    %dma_start3A_173 = arith.constant 0 : i32
    %dma_start3A_174 = tpu.memref_slice %arg5[%dma_start3A_166, %add3A_115, %dma_start3A_173] : memref<4x64x2048xf32, #tpu.memory_space<hbm>> -> memref<1x1x2048xf32, #tpu.memory_space<hbm>>
    %dma_start3A_175 = tpu.memref_squeeze %dma_start3A_174 : memref<1x1x2048xf32, #tpu.memory_space<hbm>> -> memref<2048xf32, #tpu.memory_space<hbm>>
    %dma_start3A_176 = arith.constant 0 : i32
    %dma_start3A_177 = tpu.memref_slice %arg9[%dma_start3A_164, %dma_start3A_165, %dma_start3A_176] : memref<2x4x2048xf32, #tpu.memory_space<vmem>> -> memref<1x1x2048xf32, #tpu.memory_space<vmem>>
    %dma_start3A_178 = tpu.memref_squeeze %dma_start3A_177 : memref<1x1x2048xf32, #tpu.memory_space<vmem>> -> memref<2048xf32, #tpu.memory_space<vmem>>
    tpu.enqueue_dma source(%dma_start3A_178 : memref<2048xf32, #tpu.memory_space<vmem>>) target(%dma_start3A_175 : memref<2048xf32, #tpu.memory_space<hbm>>) target_semaphore(%arg11 : memref<!tpu.dma_semaphore, #tpu.memory_space<semaphore_mem>>)
    %dma_start3A_179 = arith.constant 1 : i32
    %dma_start3A_180 = arith.constant 3 : i32
    %dma_start3A_181 = arith.constant 3 : i32
    %dma_start3A_182 = arith.constant 0 : i32
    %dma_start3A_183 = tpu.memref_slice %arg9[%dma_start3A_179, %dma_start3A_180, %dma_start3A_182] : memref<2x4x2048xf32, #tpu.memory_space<vmem>> -> memref<1x1x2048xf32, #tpu.memory_space<vmem>>
    %dma_start3A_184 = tpu.memref_squeeze %dma_start3A_183 : memref<1x1x2048xf32, #tpu.memory_space<vmem>> -> memref<2048xf32, #tpu.memory_space<vmem>>
    %dma_start3A_185 = arith.constant 0 : i32
    %dma_start3A_186 = tpu.memref_slice %arg5[%dma_start3A_181, %add3A_115, %dma_start3A_185] : memref<4x64x2048xf32, #tpu.memory_space<hbm>> -> memref<1x1x2048xf32, #tpu.memory_space<hbm>>
    %dma_start3A_187 = tpu.memref_squeeze %dma_start3A_186 : memref<1x1x2048xf32, #tpu.memory_space<hbm>> -> memref<2048xf32, #tpu.memory_space<hbm>>
    %dma_start3A_188 = arith.constant 0 : i32
    %dma_start3A_189 = tpu.memref_slice %arg5[%dma_start3A_181, %add3A_115, %dma_start3A_188] : memref<4x64x2048xf32, #tpu.memory_space<hbm>> -> memref<1x1x2048xf32, #tpu.memory_space<hbm>>
    %dma_start3A_190 = tpu.memref_squeeze %dma_start3A_189 : memref<1x1x2048xf32, #tpu.memory_space<hbm>> -> memref<2048xf32, #tpu.memory_space<hbm>>
    %dma_start3A_191 = arith.constant 0 : i32
    %dma_start3A_192 = tpu.memref_slice %arg9[%dma_start3A_179, %dma_start3A_180, %dma_start3A_191] : memref<2x4x2048xf32, #tpu.memory_space<vmem>> -> memref<1x1x2048xf32, #tpu.memory_space<vmem>>
    %dma_start3A_193 = tpu.memref_squeeze %dma_start3A_192 : memref<1x1x2048xf32, #tpu.memory_space<vmem>> -> memref<2048xf32, #tpu.memory_space<vmem>>
    tpu.enqueue_dma source(%dma_start3A_193 : memref<2048xf32, #tpu.memory_space<vmem>>) target(%dma_start3A_190 : memref<2048xf32, #tpu.memory_space<hbm>>) target_semaphore(%arg11 : memref<!tpu.dma_semaphore, #tpu.memory_space<semaphore_mem>>)
    %dma_wait3A_194 = arith.constant 0 : i32
    %dma_wait3A_195 = arith.constant 0 : i32
    %dma_wait3A_196 = arith.constant 0 : i32
    %dma_wait3A_197 = tpu.memref_slice %arg5[%dma_wait3A_194, %dma_wait3A_195, %dma_wait3A_196] : memref<4x64x2048xf32, #tpu.memory_space<hbm>> -> memref<2x4x2048xf32, #tpu.memory_space<hbm>>
    %dma_wait3A_198 = arith.constant 0 : i32
    %dma_wait3A_199 = arith.constant 0 : i32
    %dma_wait3A_200 = arith.constant 0 : i32
    %dma_wait3A_201 = tpu.memref_slice %arg5[%dma_wait3A_198, %dma_wait3A_199, %dma_wait3A_200] : memref<4x64x2048xf32, #tpu.memory_space<hbm>> -> memref<2x4x2048xf32, #tpu.memory_space<hbm>>
    tpu.wait_dma2 semaphore(%arg11 : memref<!tpu.dma_semaphore, #tpu.memory_space<semaphore_mem>>) src(%dma_wait3A_201 : memref<2x4x2048xf32, #tpu.memory_space<hbm>>) dst(%arg9 : memref<2x4x2048xf32, #tpu.memory_space<vmem>>)
    return
  }
}

</mosaic_0001>

<sc_bundles>
// kernel: kernel.3.cloned.1.call-start
scs
__scs_entry_jumppad:
0x0: {  	(pc) =	sbr.rel $0x88, $3  }
0x1: {  	(tag) =	ssettag $0x0;
	lr =	simm.s32 $0x1  }
0x2: {  	[smem:$0x3F9E] =	sst lr;
	_ =	strace $0xD0000000  }
0x3: {  	_ = 	snop  }
0x4: {  	_ = 	snop  }
0x5: {  	_ = 	snop  }
0x6: {  	_ = 	snop  }
0x7: {  	_ = 	snop  }
__scs_overlays_trampoline_lowered:
0x8: {  	[smem:$0x3FAD] =	sst s0  }
0x9: {  	[smem:$0x3FAE] =	sst s1  }
0xa: {  	[smem:$0x3FAF] =	sst s2  }
0xb: {  	[smem:$0x3FB0] =	sst s3  }
0xc: {  	[smem:$0x3FB1] =	sst s4  }
0xd: {  	[smem:$0x3FB2] =	sst s5  }
0xe: {  	[smem:$0x3FB3] =	sst s6  }
0xf: {  	[smem:$0x3FB4] =	sst s7  }
0x10: {  	[smem:$0x3FB5] =	sst s8  }
0x11: {  	[smem:$0x3FB6] =	sst s9;
	s0 =	simm.s32 @!p0 $0x0  }
0x12: {  	s1 =	sld [smem:$0x3F9C];
	s0 =	simm.s32 @p0 $0x1  }
0x13: {  	[smem:$0x3FB7] =	sst s0;
	s0 =	simm.s32 @!p1 $0x0  }
0x14: {  	s2 =	sld [smem:$0x3F9B];
	s0 =	simm.s32 @p1 $0x1  }
0x15: {  	[smem:$0x3FB8] =	sst s0;
	s0 =	simm.s32 @!p2 $0x0  }
0x16: {  	s3 =	sld [smem:$0x3FDB];
	s0 =	simm.s32 @p2 $0x1  }
0x17: {  	s4 =	simm.s32 $0x1BF5;
	[smem:$0x3FBA] =	sst s0  }
0x18: {  	s0 =	sld [smem:$0x3F9D];
	_ =	swait.ge [sflag:s4], $0x0  }
0x19: {  	s7 =	sld [smem:$0x3F9E]  }
0x1a: {  	s8 =	sadd.s32 $0xFFFFE003, lr  }
0x1b: {  	s9 =	sadd.s32 $0xFFFFFEF7, lr;
	s5 =	simm.s32 $0xFFFFFFFF;
	p2 =	slt.u32 s8, $0xFFFFF086  }
0x1c: {  	p1 =	slt.u32 s9, $0xF7A;
	s5 =	simm.s32 @!p2 $0x0  }
0x1d: {  	s5 =	simm.s32 @p1 $0x1;
	p0 =	seq.s32 s7, s2  }
0x1e: {  	s7 =	smul.u32 @!p0 $0xF7A, s2;
	p2 =	seq.s32 @!p0 s5, $0x0  }
0x1f: {  	s9 =	smul.u32 $0xF7A, s1;
	s8 =	simm.s32 @!p0 $0x1BF5;
	p2 =	por !p2, p0  }
0x20: {  	[sflag:s8] =	ssyncset.s32 @!p0 $0xFFFFF086;
	s6 =	sadd.s32 @!p0 s3, s7;
	s7 =	simm.s32 @!p0 $0x108  }
0x21: {  	s3 =	sadd.s32 s3, s9;
	s6 =	sadd.s32 @!p0 $0x88, s6;
	s7 =	simm.s32 @p2 $0x1082  }
0x22: {  	[simem:s7], [sflag:s8] =	dma.local @!p0 [hbm:s6], $0xF7A  }
0x23: {  	s9 =	sor.u32 $0xD0000000, s2;
	s6 =	simm.s32 $0x108;
	_ =	swait.ge @!p0 [sflag:s8], $0x0  }
0x24: {  	s3 =	sadd.s32 $0x88, s3;
	s6 =	simm.s32 @!p1 $0x1082;
	[sflag:s4] =	ssyncset.s32 $0xFFFFF086  }
0x25: {  	[simem:s6], [sflag:s4] =	dma.local [hbm:s3], $0xF7A  }
0x26: {  	[smem:$0x3F9E] =	sst s1;
	(tag) =	ssettag s2;
	_ =	strace s9  }
0x27: {  	s1 =	sld [smem:$0x3FAE]  }
0x28: {  	s2 =	sld [smem:$0x3FAF]  }
0x29: {  	s4 =	sld [smem:$0x3FB1]  }
0x2a: {  	p0 =	seq.s32 s5, $0x0;
	s5 =	sld [smem:$0x3FB2]  }
0x2b: {  	s6 =	sld [smem:$0x3FB3]  }
0x2c: {  	s7 =	sld [smem:$0x3FB4]  }
0x2d: {  	s3 =	simm.s32 $0x108;
	s8 =	sld [smem:$0x3FB5]  }
0x2e: {  	s3 =	simm.s32 @!p0 $0x1082;
	s9 =	sld [smem:$0x3FB6]  }
0x2f: {  	lr =	sadd.s32 s0, s3;
	s0 =	sld [smem:$0x3FAD]  }
0x30: {  	s3 =	sld [smem:$0x3FB0]  }
0x31: {  	[smem:$0x3FB9] =	sst s10  }
0x32: {  	s10 =	sld [smem:$0x3FB7];
	_ =	sdelay $0x3  }
0x33: {  	p0 =	seq.s32 s10, $0x1;
	s10 =	sld [smem:$0x3FB9];
	_ =	sdelay $0x3  }
0x34: {  	[smem:$0x3FB9] =	sst s10  }
0x35: {  	s10 =	sld [smem:$0x3FB8];
	_ =	sdelay $0x3  }
0x36: {  	p1 =	seq.s32 s10, $0x1;
	s10 =	sld [smem:$0x3FB9];
	_ =	sdelay $0x3  }
0x37: {  	[smem:$0x3FB9] =	sst s10  }
0x38: {  	s10 =	sld [smem:$0x3FBA]  }
0x39: {  	_ = 	snop;
	(pc) =	sbr.ind lr, $3  }
0x3a: {  	_ = 	snop  }
0x3b: {  	_ = 	snop  }
0x3c: {  	p2 =	seq.s32 s10, $0x1;
	s10 =	sld [smem:$0x3FB9]  }
0x3d: {  	_ =	shalt  }
0x3e: {  	_ =	shalt  }
0x3f: {  	_ =	shalt  }
0x40: {  	_ =	shalt  }
0x41: {  	_ =	shalt  }
0x42: {  	_ =	shalt  }
0x43: {  	_ =	shalt  }
0x44: {  	_ =	shalt  }
0x45: {  	_ =	shalt  }
0x46: {  	_ =	shalt  }
0x47: {  	_ =	shalt  }
0x48: {  	_ =	shalt  }
0x49: {  	_ =	shalt  }
0x4a: {  	_ =	shalt  }
0x4b: {  	_ =	shalt  }
0x4c: {  	_ =	shalt  }
0x4d: {  	_ =	shalt  }
0x4e: {  	_ =	shalt  }
0x4f: {  	_ =	shalt  }
0x50: {  	_ =	shalt  }
0x51: {  	_ =	shalt  }
0x52: {  	_ =	shalt  }
0x53: {  	_ =	shalt  }
0x54: {  	_ =	shalt  }
0x55: {  	_ =	shalt  }
0x56: {  	_ =	shalt  }
0x57: {  	_ =	shalt  }
0x58: {  	_ =	shalt  }
0x59: {  	_ =	shalt  }
0x5a: {  	_ =	shalt  }
0x5b: {  	_ =	shalt  }
0x5c: {  	_ =	shalt  }
0x5d: {  	_ =	shalt  }
0x5e: {  	_ =	shalt  }
0x5f: {  	_ =	shalt  }
0x60: {  	_ =	shalt  }
0x61: {  	_ =	shalt  }
0x62: {  	_ =	shalt  }
0x63: {  	_ =	shalt  }
0x64: {  	_ =	shalt  }
0x65: {  	_ =	shalt  }
0x66: {  	_ =	shalt  }
0x67: {  	_ =	shalt  }
0x68: {  	_ =	shalt  }
0x69: {  	_ =	shalt  }
0x6a: {  	_ =	shalt  }
0x6b: {  	_ =	shalt  }
0x6c: {  	_ =	shalt  }
0x6d: {  	_ =	shalt  }
0x6e: {  	_ =	shalt  }
0x6f: {  	_ =	shalt  }
0x70: {  	_ =	shalt  }
0x71: {  	_ =	shalt  }
0x72: {  	_ =	shalt  }
0x73: {  	_ =	shalt  }
0x74: {  	_ =	shalt  }
0x75: {  	_ =	shalt  }
0x76: {  	_ =	shalt  }
0x77: {  	_ =	shalt  }
0x78: {  	_ =	shalt  }
0x79: {  	_ =	shalt  }
0x7a: {  	_ =	shalt  }
0x7b: {  	_ =	shalt  }
0x7c: {  	_ =	shalt  }
0x7d: {  	_ =	shalt  }
0x7e: {  	_ =	shalt  }
0x7f: {  	_ =	shalt  }
0x80: {  	_ =	shalt  }
0x81: {  	_ =	shalt  }
0x82: {  	_ =	shalt  }
0x83: {  	_ =	shalt  }
0x84: {  	_ =	shalt  }
0x85: {  	_ =	shalt  }
0x86: {  	_ =	shalt  }
0x87: {  	_ =	shalt  }
.Lfunc_end0:
.L_simem_size_0:
called_computation_lowered:
.L_overlay_start_0:
0x88: {  	s2 =	sld [smem:$0x3FD9]  }
0x89: {  	s3 =	sld [smem:$0x3FFE];
	_ =	sdelay $0x1  }
0x8a: {  	s1 =	srdreg.scid  }
0x8b: {  	s0 =	sand.u32 $0x1, s1  }
0x8c: {  	s17 =	sshll.u32 s0, $0xA;
	s2 =	sadd.s32 s3, s2  }
0x8d: {  	s2 =	sadd.s32 s2, s17  }
0x8e: {  	[smem:$0x3FC5] =	sst s2  }
0x8f: {  	_ = 	snop  }
0x90: {  	s2 =	sld [smem:$0x3FC8]  }
0x91: {  	s18 =	sld [smem:$0x3FC7]  }
0x92: {  	s4 =	sld [smem:$0x3FD0];
	(tm) =	ssettm $0x1  }
0x93: {  	s5 =	sld [smem:$0x3FFB];
	_ =	sdelay $0x3  }
0x94: {  	_ =	strace s5  }
0x95: {  	s5 =	sld [smem:$0x3FFC];
	_ =	sdelay $0x3  }
0x96: {  	_ =	strace s5  }
0x97: {  	s5 =	sld [smem:$0x3FFD];
	_ =	sdelay $0x3  }
0x98: {  	_ =	strace s5  }
0x99: {  	_ =	strace $0x8FFFFFFF  }
0x9a: {  	s19 =	sld [smem:$0x3FDB];
	_ =	sdelay $0x1  }
0x9b: {  	s6 =	simm.s32 $_scs_section_size  }
0x9c: {  	s7 =	simm.s32 $_size__tile_overlayer_lowered;
	s8 =	simm.s32 $_tile_overlayer_lowered  }
0x9d: {  	s22 =	simm.s32 $0x1BFF;
	s21 =	sshll.u32 s8, $0x1;
	s5 =	sadd.s32 s6, s19  }
0x9e: {  	s9 =	simm.s32 $0x0;
	s20 =	sshll.u32 s7, $0x1;
	s7 =	sadd.s32 s21, s5  }
0x9f: {  	[timem:s9], [sflag:s22] =	dma.local [hbm:s7], s20  }
0xa0: {  	_ =	swait.ge [sflag:s22], s20  }
0xa1: {  	s6 =	ssub.s32 $0x0, s20;
	[sflag:s22] =	ssyncset.done $0x0  }
0xa2: {  	[sflag:s22] =	ssyncadd.s32 s6;
	_ =	sdelay $0x1  }
0xa3: {  	s23 =	simm.s32 $0x1B8B  }
0xa4: {  	_ =	swait.ge [sflag:s23], $0x1  }
0xa5: {  	[sflag:s23] =	ssyncset.done $0x0  }
0xa6: {  	s25 =	simm.s32 $0x1B8E;
	s24 =	sld [smem:$0x3FFE];
	[sflag:s23] =	ssyncadd.s32 $0xFFFFFFFF  }
0xa7: {  	s26 =	simm.s32 $execute0_lowered;
	[smem:$0x3FD2] =	sst s25  }
0xa8: {  	s7 =	sshll.u32 s26, $0x1;
	_ =	strace $0x80000046;
	[dreg:$0x1] =	wrdreg $0xFFFFFFFF  }
0xa9: {  	s28 =	simm.s32 $_size_execute0_lowered;
	s5 =	sadd.s32 s5, s7;
	[dreg:$0x0] =	wrdreg $0x0  }
0xaa: {  	s7 =	sshll.u32 s28, $0x1;
	[dreg:$0x2] =	wrdreg s5  }
0xab: {  	[dreg:$0x3] =	wrdreg s7  }
0xac: {  	[dreg:$0x4] =	wrdreg $0xC0  }
0xad: {  	_ =	task [dreg:s9], $0x5FFFF  }
0xae: {  	[dreg:$0x1] =	wrdreg $0xFFFFFFFF  }
0xaf: {  	[dreg:$0x0] =	wrdreg $0x60  }
0xb0: {  	[dreg:$0x2] =	wrdreg s24  }
0xb1: {  	[dreg:$0x3] =	wrdreg s2  }
0xb2: {  	[dreg:$0x4] =	wrdreg s18  }
0xb3: {  	[dreg:$0x5] =	wrdreg s4  }
0xb4: {  	[dreg:$0x6] =	wrdreg $0x9  }
0xb5: {  	_ =	task.clear_ibuf [dreg:s9], $0x7FFFF;
	_ =	strace $0x90000046  }
0xb6: {  	s29 =	simm.s32 $0x9;
	_ =	strace $0x80000048  }
0xb7: {  	_ =	swait.ge [sflag:s29], $0x1  }
0xb8: {  	[sflag:s29] =	ssyncadd.s32 $0xFFFFFFFF  }
0xb9: {  	_ =	strace $0x90000048  }
0xba: {  	_ =	sfence  }
0xbb: {  	s30 =	sld [smem:$0x0];
	_ =	sdelay $0x2  }
0xbc: {  	s31 =	sshll.u32 s1, $0xD;
	s1 =	sshrl.u32 s1, $0x2  }
0xbd: {  	s3 =	sand.u32 $0x4000, s31;
	s1 =	sadd.s32 s1, s30  }
0xbe: {  	s0 =	sor.u32 s3, s0;
	s1 =	sshll.u32 s1, $0x11  }
0xbf: {  	s0 =	sor.u32 s1, s0  }
0xc0: {  	s0 =	sadd.s32 $0x8F2B, s0  }
0xc1: {  	[sflag:s0] =	ssyncadd.remote.s32 $0x1  }
0xc2: {  	_ =	sfence.sel $0xFFFF  }
0xc3: {  	[dreg:$0x0] =	wrdreg $0xFFFFFFFF;
	(pc) =	sbr.abs _section_cstart, $3  }
0xc4: {  	[dreg:$0x1] =	wrdreg $0xFFFFFFFF  }
0xc5: {  	_ =	task.clear_ibuf [dreg:s9], $0x2FFFF;
	_ =	strace $0x9FFFFFFF  }
0xc6: {  	(tm) =	ssettm $0x7FFFFFFF  }
0xc7: {  	_ =	shalt  }
tec
execute0_lowered:
.L_overlay_start_1:
0x0: {  	(tag) =	ssettag $0x1  }
0x1: {  	s0 =	rddreg [dreg:$0x0]  }
0x2: {  	s1 =	rddreg [dreg:$0x1]  }
0x3: {  	s7 =	rddreg [dreg:$0x2]  }
0x4: {  	s15 =	rddreg [dreg:$0x3]  }
0x5: {  	s2 =	simm.s32 $0x0;
	s3 =	srdreg.scid;
	s5 =	stileid.u32  }
0x6: {  	s18 =	simm.s32 $0x400;
	s28 =	simm.s32 $0x1E880;
	s29 =	simm.s32 $0x1EA80  }
0x7: {  	s30 =	simm.s32 $0x1EC80;
	s31 =	simm.s32 $0x1EE80;
	[smem:$0x7FF] =	sst s2  }
0x8: {  	s3 =	sand.u32 $0x1, s3;
	s4 =	sshll.u32 s5, $0x9;
	s5 =	sshrl.u32 s5, $0x1  }
0x9: {  	s6 =	sshll.u32 s3, $0x8;
	s4 =	sand.u32 $0x200, s4;
	s8 =	smul.u32 $0xC3800, s5  }
0xa: {  	_ =	strace $0x80000047;
	s9 =	ssub.s32 $0x2, s3;
	s3 =	sadd.s32 $0x400, s0  }
0xb: {  	s20 =	sshll.u32 s5, $0xE;
	s10 =	sor.u32 s6, s4;
	s19 =	sshrl.u32 s9, $0x1  }
0xc: {  	s23 =	sor.u32 $0x20000, s20;
	s14 =	sor.u32 $0x40000, s20;
	s16 =	sor.u32 $0x60000, s20  }
0xd: {  	s4 =	sor.u32 s8, s10;
	s0 =	ssub.s32 s9, s19;
	s5 =	sor.u32 s20, s10  }
0xe: {  	s13 =	sor.u32 $0x80, s10;
	s24 =	sor.u32 s10, s23;
	s25 =	sor.u32 s10, s14  }
0xf: {  	s10 =	sor.u32 s10, s16;
	s19 =	simm.s32 $0x2000;
	s4 =	sshrl.u32 s4, $0x3  }
0x10: {  	s11 =	sshrl.u32 s5, $0x3;
	s21 =	sor.u32 s8, s13;
	s22 =	sor.u32 s20, s13  }
0x11: {  	s9 =	sshrl.u32 s24, $0x3;
	s17 =	sshrl.u32 s10, $0x3;
	s14 =	sor.u32 s14, s13  }
0x12: {  	s16 =	sor.u32 s16, s13;
	s20 =	simm.s32 $0x1A700;
	s4 =	sadd.s32 s1, s4  }
0x13: {  	s5 =	sadd.s32 s7, s11;
	s6 =	sshrl.u32 s21, $0x3;
	s12 =	sshrl.u32 s22, $0x3  }
0x14: {  	s8 =	sadd.s32 s15, s11;
	s11 =	sshrl.u32 s25, $0x3;
	s9 =	sadd.s32 s15, s9  }
0x15: {  	s14 =	sshrl.u32 s14, $0x3;
	s26 =	sshrl.u32 s16, $0x3;
	s16 =	smax.u32 s0, $0x1  }
0x16: {  	s21 =	simm.s32 $0x3;
	s22 =	simm.s32 $0x1;
	s0 =	simm.s32 $0x2  }
0x17: {  	s6 =	sadd.s32 s1, s6;
	s7 =	sadd.s32 s7, s12;
	s10 =	sadd.s32 s15, s11  }
0x18: {  	s11 =	sadd.s32 s15, s17;
	s12 =	sadd.s32 s15, s12;
	s1 =	sor.u32 s23, s13  }
0x19: {  	s14 =	sadd.s32 s15, s14;
	s17 =	simm.s32 $0x80;
	s1 =	sshrl.u32 s1, $0x3  }
0x1a: {  	s13 =	sadd.s32 s15, s1;
	s15 =	sadd.s32 s15, s26;
	s1 =	simm.s32 $0x0  }
.LBB2_1:
0x1b: {  	[tilespmem:s19], [sflag:$0x1] =	stream.strided.gather [hbm4b:s4+s17], $0x18700, s18, s17, $0x38;
	[tilespmem:$0x1EF00] =	vst v63  }
0x1c: {  	_ = 	snop  }
0x1d: {  	[tilespmem:s20], [sflag:$0x1] =	stream.strided.gather [hbm4b:s5+s17], $0x800, s18, s17, $0x38;
	[tilespmem:$0x1EF00] =	vst v63  }
0x1e: {  	_ = 	snop  }
0x1f: {  	[tilespmem:s2], [sflag:$0x3] =	stream.linear.gather [hbm4b:s3+s2], $0x2000, $0x38;
	[tilespmem:$0x1EF00] =	vst v63  }
0x20: {  	_ =	swait.ge [sflag:s21], $0x2000  }
0x21: {  	[sflag:s21] =	ssyncset.done $0x0  }
0x22: {  	[sflag:s21] =	ssyncadd.s32 $0xFFFFE000  }
0x23: {  	_ =	swait.ge [sflag:s22], $0x18700  }
0x24: {  	[sflag:s22] =	ssyncset.done $0x0  }
0x25: {  	[sflag:s22] =	ssyncadd.s32 $0xFFFE7900  }
0x26: {  	_ =	swait.ge [sflag:s22], $0x800  }
0x27: {  	[sflag:s22] =	ssyncset.done $0x0  }
0x28: {  	s23 =	simm.s32 $0x0;
	s24 =	simm.s32 $0x0;
	[sflag:s22] =	ssyncadd.s32 $0xFFFFF800  }
.LBB2_2:
0x29: {  	s25 =	sshra.s32 s23, $0x2  }
0x2a: {  	v0 =	vld [tilespmem:s25+$0x0];
	_ =	sdelay $0x6  }
0x2b: {  	v1 =	vld [tilespmem:s25+$0x1A700]  }
0x2c: {  	v0 =	vld.idx.msk [tilespmem:v0+s19+$0x0], $0xffff;
	_ =	sdelay $0x4  }
0x2d: {  	s26 =	sand.u32 $0x1E00, s23;
	s25 =	sand.u32 $0x70, s24;
	v0 =	vadd.f32 v0, v1  }
0x2e: {  	s25 =	sor.u32 s25, s26  }
0x2f: {  	s26 =	sand.u32 $0x7F0, s24;
	[tilespmem:s25+$0x1AF00] =	vst v0  }
0x30: {  	v0 =	vld [tilespmem:s26+$0x800];
	_ =	sdelay $0x7  }
0x31: {  	v0 =	vld.idx.msk [tilespmem:v0+s19+$0x0], $0xffff;
	_ =	sdelay $0x4  }
0x32: {  	v0 =	vadd.f32 v0, v1  }
0x33: {  	s25 =	sadd.s32 $0x1AF00, s25  }
0x34: {  	[tilespmem:s25+$0x80] =	vst v0  }
0x35: {  	v0 =	vld [tilespmem:s26+$0x1000];
	_ =	sdelay $0x7  }
0x36: {  	v0 =	vld.idx.msk [tilespmem:v0+s19+$0x0], $0xffff;
	_ =	sdelay $0x4  }
0x37: {  	v0 =	vadd.f32 v0, v1;
	_ =	sdelay $0x1  }
0x38: {  	[tilespmem:s25+$0x100] =	vst v0  }
0x39: {  	v0 =	vld [tilespmem:s26+$0x1800];
	_ =	sdelay $0x7  }
0x3a: {  	v0 =	vld.idx.msk [tilespmem:v0+s19+$0x0], $0xffff;
	_ =	sdelay $0x1  }
0x3b: {  	p0 =	sne.s32 s24, $0x7F0  }
.Ltmp0:
0x3c: {  	_ = 	snop;
	(pc) =	sbr.rel @p0 .LBB2_2-.Ltmp0, $3  }
0x3d: {  	_ = 	snop  }
0x3e: {  	v0 =	vadd.f32 v0, v1;
	_ =	sdelay $0x1  }
0x3f: {  	s23 =	sadd.s32 $0x40, s23;
	s24 =	sadd.s32 $0x10, s24;
	[tilespmem:s25+$0x180] =	vst v0  }
0x40: {  	[tilespmem:s19], [sflag:$0x1] =	stream.strided.gather [hbm4b:s6+s17], $0x18700, s18, s17, $0x38;
	[tilespmem:$0x1EF00] =	vst v63  }
0x41: {  	_ = 	snop  }
0x42: {  	[tilespmem:s20], [sflag:$0x1] =	stream.strided.gather [hbm4b:s7+s17], $0x800, s18, s17, $0x38;
	[tilespmem:$0x1EF00] =	vst v63  }
0x43: {  	s23 =	simm.s32 $0x0;
	s24 =	simm.s32 $0x1AF00  }
0x44: {  	[hbm4b:s8+s23] =	stream.linear.scatter [tilespmem:s24], [sflag:$0x2], $0x80, $0x38;
	[tilespmem:$0x1EF00] =	vst v63  }
0x45: {  	s26 =	sadd.s32 $0x80, s8;
	s25 =	simm.s32 $0x1B100  }
0x46: {  	[hbm4b:s26+s23] =	stream.linear.scatter [tilespmem:s25], [sflag:$0x2], $0x80, $0x38;
	[tilespmem:$0x1EF00] =	vst v63  }
0x47: {  	s25 =	sadd.s32 $0x100, s8;
	s26 =	simm.s32 $0x1B300  }
0x48: {  	[hbm4b:s25+s23] =	stream.linear.scatter [tilespmem:s26], [sflag:$0x2], $0x80, $0x38;
	[tilespmem:$0x1EF00] =	vst v63  }
0x49: {  	s25 =	sadd.s32 $0x180, s8;
	s26 =	simm.s32 $0x1B500  }
0x4a: {  	[hbm4b:s25+s23] =	stream.linear.scatter [tilespmem:s26], [sflag:$0x2], $0x80, $0x38;
	[tilespmem:$0x1EF00] =	vst v63  }
0x4b: {  	s25 =	sadd.s32 $0x200, s8;
	s26 =	simm.s32 $0x1B700  }
0x4c: {  	[hbm4b:s25+s23] =	stream.linear.scatter [tilespmem:s26], [sflag:$0x2], $0x80, $0x38;
	[tilespmem:$0x1EF00] =	vst v63  }
0x4d: {  	s25 =	sadd.s32 $0x280, s8;
	s26 =	simm.s32 $0x1B900  }
0x4e: {  	[hbm4b:s25+s23] =	stream.linear.scatter [tilespmem:s26], [sflag:$0x2], $0x80, $0x38;
	[tilespmem:$0x1EF00] =	vst v63  }
0x4f: {  	s25 =	sadd.s32 $0x300, s8;
	s26 =	simm.s32 $0x1BB00  }
0x50: {  	[hbm4b:s25+s23] =	stream.linear.scatter [tilespmem:s26], [sflag:$0x2], $0x80, $0x38;
	[tilespmem:$0x1EF00] =	vst v63  }
0x51: {  	s25 =	sadd.s32 $0x380, s8;
	s26 =	simm.s32 $0x1BD00  }
0x52: {  	[hbm4b:s25+s23] =	stream.linear.scatter [tilespmem:s26], [sflag:$0x2], $0x80, $0x38;
	[tilespmem:$0x1EF00] =	vst v63  }
0x53: {  	s25 =	sadd.s32 $0x400, s8;
	s26 =	simm.s32 $0x1BF00  }
0x54: {  	[hbm4b:s25+s23] =	stream.linear.scatter [tilespmem:s26], [sflag:$0x2], $0x80, $0x38;
	[tilespmem:$0x1EF00] =	vst v63  }
0x55: {  	s25 =	sadd.s32 $0x480, s8;
	s26 =	simm.s32 $0x1C100  }
0x56: {  	[hbm4b:s25+s23] =	stream.linear.scatter [tilespmem:s26], [sflag:$0x2], $0x80, $0x38;
	[tilespmem:$0x1EF00] =	vst v63  }
0x57: {  	s25 =	sadd.s32 $0x500, s8;
	s26 =	simm.s32 $0x1C300  }
0x58: {  	[hbm4b:s25+s23] =	stream.linear.scatter [tilespmem:s26], [sflag:$0x2], $0x80, $0x38;
	[tilespmem:$0x1EF00] =	vst v63  }
0x59: {  	s25 =	sadd.s32 $0x580, s8;
	s26 =	simm.s32 $0x1C500  }
0x5a: {  	[hbm4b:s25+s23] =	stream.linear.scatter [tilespmem:s26], [sflag:$0x2], $0x80, $0x38;
	[tilespmem:$0x1EF00] =	vst v63  }
0x5b: {  	s25 =	sadd.s32 $0x600, s8;
	s26 =	simm.s32 $0x1C700  }
0x5c: {  	[hbm4b:s25+s23] =	stream.linear.scatter [tilespmem:s26], [sflag:$0x2], $0x80, $0x38;
	[tilespmem:$0x1EF00] =	vst v63  }
0x5d: {  	s25 =	sadd.s32 $0x680, s8;
	s26 =	simm.s32 $0x1C900  }
0x5e: {  	[hbm4b:s25+s23] =	stream.linear.scatter [tilespmem:s26], [sflag:$0x2], $0x80, $0x38;
	[tilespmem:$0x1EF00] =	vst v63  }
0x5f: {  	s25 =	sadd.s32 $0x700, s8;
	s26 =	simm.s32 $0x1CB00  }
0x60: {  	[hbm4b:s25+s23] =	stream.linear.scatter [tilespmem:s26], [sflag:$0x2], $0x80, $0x38;
	[tilespmem:$0x1EF00] =	vst v63  }
0x61: {  	s25 =	sadd.s32 $0x780, s8;
	s26 =	simm.s32 $0x1CD00  }
0x62: {  	[hbm4b:s25+s23] =	stream.linear.scatter [tilespmem:s26], [sflag:$0x2], $0x80, $0x38;
	[tilespmem:$0x1EF00] =	vst v63  }
0x63: {  	s26 =	simm.s32 $0x1AF80  }
0x64: {  	[hbm4b:s9+s23] =	stream.linear.scatter [tilespmem:s26], [sflag:$0x2], $0x80, $0x38;
	[tilespmem:$0x1EF00] =	vst v63  }
0x65: {  	s25 =	sadd.s32 $0x80, s9;
	s26 =	simm.s32 $0x1B180  }
0x66: {  	[hbm4b:s25+s23] =	stream.linear.scatter [tilespmem:s26], [sflag:$0x2], $0x80, $0x38;
	[tilespmem:$0x1EF00] =	vst v63  }
0x67: {  	s25 =	sadd.s32 $0x100, s9;
	s26 =	simm.s32 $0x1B380  }
0x68: {  	[hbm4b:s25+s23] =	stream.linear.scatter [tilespmem:s26], [sflag:$0x2], $0x80, $0x38;
	[tilespmem:$0x1EF00] =	vst v63  }
0x69: {  	s25 =	sadd.s32 $0x180, s9;
	s26 =	simm.s32 $0x1B580  }
0x6a: {  	[hbm4b:s25+s23] =	stream.linear.scatter [tilespmem:s26], [sflag:$0x2], $0x80, $0x38;
	[tilespmem:$0x1EF00] =	vst v63  }
0x6b: {  	s25 =	sadd.s32 $0x200, s9;
	s26 =	simm.s32 $0x1B780  }
0x6c: {  	[hbm4b:s25+s23] =	stream.linear.scatter [tilespmem:s26], [sflag:$0x2], $0x80, $0x38;
	[tilespmem:$0x1EF00] =	vst v63  }
0x6d: {  	s25 =	sadd.s32 $0x280, s9;
	s26 =	simm.s32 $0x1B980  }
0x6e: {  	[hbm4b:s25+s23] =	stream.linear.scatter [tilespmem:s26], [sflag:$0x2], $0x80, $0x38;
	[tilespmem:$0x1EF00] =	vst v63  }
0x6f: {  	s25 =	sadd.s32 $0x300, s9;
	s26 =	simm.s32 $0x1BB80  }
0x70: {  	[hbm4b:s25+s23] =	stream.linear.scatter [tilespmem:s26], [sflag:$0x2], $0x80, $0x38;
	[tilespmem:$0x1EF00] =	vst v63  }
0x71: {  	s25 =	sadd.s32 $0x380, s9;
	s26 =	simm.s32 $0x1BD80  }
0x72: {  	[hbm4b:s25+s23] =	stream.linear.scatter [tilespmem:s26], [sflag:$0x2], $0x80, $0x38;
	[tilespmem:$0x1EF00] =	vst v63  }
0x73: {  	s25 =	sadd.s32 $0x400, s9;
	s26 =	simm.s32 $0x1BF80  }
0x74: {  	[hbm4b:s25+s23] =	stream.linear.scatter [tilespmem:s26], [sflag:$0x2], $0x80, $0x38;
	[tilespmem:$0x1EF00] =	vst v63  }
0x75: {  	s25 =	sadd.s32 $0x480, s9;
	s26 =	simm.s32 $0x1C180  }
0x76: {  	[hbm4b:s25+s23] =	stream.linear.scatter [tilespmem:s26], [sflag:$0x2], $0x80, $0x38;
	[tilespmem:$0x1EF00] =	vst v63  }
0x77: {  	s25 =	sadd.s32 $0x500, s9;
	s26 =	simm.s32 $0x1C380  }
0x78: {  	[hbm4b:s25+s23] =	stream.linear.scatter [tilespmem:s26], [sflag:$0x2], $0x80, $0x38;
	[tilespmem:$0x1EF00] =	vst v63  }
0x79: {  	s25 =	sadd.s32 $0x580, s9;
	s26 =	simm.s32 $0x1C580  }
0x7a: {  	[hbm4b:s25+s23] =	stream.linear.scatter [tilespmem:s26], [sflag:$0x2], $0x80, $0x38;
	[tilespmem:$0x1EF00] =	vst v63  }
0x7b: {  	s25 =	sadd.s32 $0x600, s9;
	s26 =	simm.s32 $0x1C780  }
0x7c: {  	[hbm4b:s25+s23] =	stream.linear.scatter [tilespmem:s26], [sflag:$0x2], $0x80, $0x38;
	[tilespmem:$0x1EF00] =	vst v63  }
0x7d: {  	s25 =	sadd.s32 $0x680, s9;
	s26 =	simm.s32 $0x1C980  }
0x7e: {  	[hbm4b:s25+s23] =	stream.linear.scatter [tilespmem:s26], [sflag:$0x2], $0x80, $0x38;
	[tilespmem:$0x1EF00] =	vst v63  }
0x7f: {  	s25 =	sadd.s32 $0x700, s9;
	s26 =	simm.s32 $0x1CB80  }
0x80: {  	[hbm4b:s25+s23] =	stream.linear.scatter [tilespmem:s26], [sflag:$0x2], $0x80, $0x38;
	[tilespmem:$0x1EF00] =	vst v63  }
0x81: {  	s25 =	sadd.s32 $0x780, s9;
	s26 =	simm.s32 $0x1CD80  }
0x82: {  	[hbm4b:s25+s23] =	stream.linear.scatter [tilespmem:s26], [sflag:$0x2], $0x80, $0x38;
	[tilespmem:$0x1EF00] =	vst v63  }
0x83: {  	s26 =	simm.s32 $0x1B000  }
0x84: {  	[hbm4b:s10+s23] =	stream.linear.scatter [tilespmem:s26], [sflag:$0x2], $0x80, $0x38;
	[tilespmem:$0x1EF00] =	vst v63  }
0x85: {  	s25 =	sadd.s32 $0x80, s10;
	s26 =	simm.s32 $0x1B200  }
0x86: {  	[hbm4b:s25+s23] =	stream.linear.scatter [tilespmem:s26], [sflag:$0x2], $0x80, $0x38;
	[tilespmem:$0x1EF00] =	vst v63  }
0x87: {  	s25 =	sadd.s32 $0x100, s10;
	s26 =	simm.s32 $0x1B400  }
0x88: {  	[hbm4b:s25+s23] =	stream.linear.scatter [tilespmem:s26], [sflag:$0x2], $0x80, $0x38;
	[tilespmem:$0x1EF00] =	vst v63  }
0x89: {  	s25 =	sadd.s32 $0x180, s10;
	s26 =	simm.s32 $0x1B600  }
0x8a: {  	[hbm4b:s25+s23] =	stream.linear.scatter [tilespmem:s26], [sflag:$0x2], $0x80, $0x38;
	[tilespmem:$0x1EF00] =	vst v63  }
0x8b: {  	s25 =	sadd.s32 $0x200, s10;
	s26 =	simm.s32 $0x1B800  }
0x8c: {  	[hbm4b:s25+s23] =	stream.linear.scatter [tilespmem:s26], [sflag:$0x2], $0x80, $0x38;
	[tilespmem:$0x1EF00] =	vst v63  }
0x8d: {  	s25 =	sadd.s32 $0x280, s10;
	s26 =	simm.s32 $0x1BA00  }
0x8e: {  	[hbm4b:s25+s23] =	stream.linear.scatter [tilespmem:s26], [sflag:$0x2], $0x80, $0x38;
	[tilespmem:$0x1EF00] =	vst v63  }
0x8f: {  	s25 =	sadd.s32 $0x300, s10;
	s26 =	simm.s32 $0x1BC00  }
0x90: {  	[hbm4b:s25+s23] =	stream.linear.scatter [tilespmem:s26], [sflag:$0x2], $0x80, $0x38;
	[tilespmem:$0x1EF00] =	vst v63  }
0x91: {  	s25 =	sadd.s32 $0x380, s10;
	s26 =	simm.s32 $0x1BE00  }
0x92: {  	[hbm4b:s25+s23] =	stream.linear.scatter [tilespmem:s26], [sflag:$0x2], $0x80, $0x38;
	[tilespmem:$0x1EF00] =	vst v63  }
0x93: {  	s25 =	sadd.s32 $0x400, s10;
	s26 =	simm.s32 $0x1C000  }
0x94: {  	[hbm4b:s25+s23] =	stream.linear.scatter [tilespmem:s26], [sflag:$0x2], $0x80, $0x38;
	[tilespmem:$0x1EF00] =	vst v63  }
0x95: {  	s25 =	sadd.s32 $0x480, s10;
	s26 =	simm.s32 $0x1C200  }
0x96: {  	[hbm4b:s25+s23] =	stream.linear.scatter [tilespmem:s26], [sflag:$0x2], $0x80, $0x38;
	[tilespmem:$0x1EF00] =	vst v63  }
0x97: {  	s25 =	sadd.s32 $0x500, s10;
	s26 =	simm.s32 $0x1C400  }
0x98: {  	[hbm4b:s25+s23] =	stream.linear.scatter [tilespmem:s26], [sflag:$0x2], $0x80, $0x38;
	[tilespmem:$0x1EF00] =	vst v63  }
0x99: {  	s25 =	sadd.s32 $0x580, s10;
	s26 =	simm.s32 $0x1C600  }
0x9a: {  	[hbm4b:s25+s23] =	stream.linear.scatter [tilespmem:s26], [sflag:$0x2], $0x80, $0x38;
	[tilespmem:$0x1EF00] =	vst v63  }
0x9b: {  	s25 =	sadd.s32 $0x600, s10;
	s26 =	simm.s32 $0x1C800  }
0x9c: {  	[hbm4b:s25+s23] =	stream.linear.scatter [tilespmem:s26], [sflag:$0x2], $0x80, $0x38;
	[tilespmem:$0x1EF00] =	vst v63  }
0x9d: {  	s25 =	sadd.s32 $0x680, s10;
	s26 =	simm.s32 $0x1CA00  }
0x9e: {  	[hbm4b:s25+s23] =	stream.linear.scatter [tilespmem:s26], [sflag:$0x2], $0x80, $0x38;
	[tilespmem:$0x1EF00] =	vst v63  }
0x9f: {  	s25 =	sadd.s32 $0x700, s10;
	s26 =	simm.s32 $0x1CC00  }
0xa0: {  	[hbm4b:s25+s23] =	stream.linear.scatter [tilespmem:s26], [sflag:$0x2], $0x80, $0x38;
	[tilespmem:$0x1EF00] =	vst v63  }
0xa1: {  	s25 =	sadd.s32 $0x780, s10;
	s26 =	simm.s32 $0x1CE00  }
0xa2: {  	[hbm4b:s25+s23] =	stream.linear.scatter [tilespmem:s26], [sflag:$0x2], $0x80, $0x38;
	[tilespmem:$0x1EF00] =	vst v63  }
0xa3: {  	s26 =	simm.s32 $0x1B080  }
0xa4: {  	[hbm4b:s11+s23] =	stream.linear.scatter [tilespmem:s26], [sflag:$0x2], $0x80, $0x38;
	[tilespmem:$0x1EF00] =	vst v63  }
0xa5: {  	s25 =	sadd.s32 $0x80, s11;
	s26 =	simm.s32 $0x1B280  }
0xa6: {  	[hbm4b:s25+s23] =	stream.linear.scatter [tilespmem:s26], [sflag:$0x2], $0x80, $0x38;
	[tilespmem:$0x1EF00] =	vst v63  }
0xa7: {  	s25 =	sadd.s32 $0x100, s11;
	s26 =	simm.s32 $0x1B480  }
0xa8: {  	[hbm4b:s25+s23] =	stream.linear.scatter [tilespmem:s26], [sflag:$0x2], $0x80, $0x38;
	[tilespmem:$0x1EF00] =	vst v63  }
0xa9: {  	s25 =	sadd.s32 $0x180, s11;
	s26 =	simm.s32 $0x1B680  }
0xaa: {  	[hbm4b:s25+s23] =	stream.linear.scatter [tilespmem:s26], [sflag:$0x2], $0x80, $0x38;
	[tilespmem:$0x1EF00] =	vst v63  }
0xab: {  	s25 =	sadd.s32 $0x200, s11;
	s26 =	simm.s32 $0x1B880  }
0xac: {  	[hbm4b:s25+s23] =	stream.linear.scatter [tilespmem:s26], [sflag:$0x2], $0x80, $0x38;
	[tilespmem:$0x1EF00] =	vst v63  }
0xad: {  	s25 =	sadd.s32 $0x280, s11;
	s26 =	simm.s32 $0x1BA80  }
0xae: {  	[hbm4b:s25+s23] =	stream.linear.scatter [tilespmem:s26], [sflag:$0x2], $0x80, $0x38;
	[tilespmem:$0x1EF00] =	vst v63  }
0xaf: {  	s25 =	sadd.s32 $0x300, s11;
	s26 =	simm.s32 $0x1BC80  }
0xb0: {  	[hbm4b:s25+s23] =	stream.linear.scatter [tilespmem:s26], [sflag:$0x2], $0x80, $0x38;
	[tilespmem:$0x1EF00] =	vst v63  }
0xb1: {  	s25 =	sadd.s32 $0x380, s11;
	s26 =	simm.s32 $0x1BE80  }
0xb2: {  	[hbm4b:s25+s23] =	stream.linear.scatter [tilespmem:s26], [sflag:$0x2], $0x80, $0x38;
	[tilespmem:$0x1EF00] =	vst v63  }
0xb3: {  	s25 =	sadd.s32 $0x400, s11;
	s26 =	simm.s32 $0x1C080  }
0xb4: {  	[hbm4b:s25+s23] =	stream.linear.scatter [tilespmem:s26], [sflag:$0x2], $0x80, $0x38;
	[tilespmem:$0x1EF00] =	vst v63  }
0xb5: {  	s25 =	sadd.s32 $0x480, s11;
	s26 =	simm.s32 $0x1C280  }
0xb6: {  	[hbm4b:s25+s23] =	stream.linear.scatter [tilespmem:s26], [sflag:$0x2], $0x80, $0x38;
	[tilespmem:$0x1EF00] =	vst v63  }
0xb7: {  	s25 =	sadd.s32 $0x500, s11;
	s26 =	simm.s32 $0x1C480  }
0xb8: {  	[hbm4b:s25+s23] =	stream.linear.scatter [tilespmem:s26], [sflag:$0x2], $0x80, $0x38;
	[tilespmem:$0x1EF00] =	vst v63  }
0xb9: {  	s25 =	sadd.s32 $0x580, s11;
	s26 =	simm.s32 $0x1C680  }
0xba: {  	[hbm4b:s25+s23] =	stream.linear.scatter [tilespmem:s26], [sflag:$0x2], $0x80, $0x38;
	[tilespmem:$0x1EF00] =	vst v63  }
0xbb: {  	s25 =	sadd.s32 $0x600, s11;
	s26 =	simm.s32 $0x1C880  }
0xbc: {  	[hbm4b:s25+s23] =	stream.linear.scatter [tilespmem:s26], [sflag:$0x2], $0x80, $0x38;
	[tilespmem:$0x1EF00] =	vst v63  }
0xbd: {  	s25 =	sadd.s32 $0x680, s11;
	s26 =	simm.s32 $0x1CA80  }
0xbe: {  	[hbm4b:s25+s23] =	stream.linear.scatter [tilespmem:s26], [sflag:$0x2], $0x80, $0x38;
	[tilespmem:$0x1EF00] =	vst v63  }
0xbf: {  	s25 =	sadd.s32 $0x700, s11;
	s26 =	simm.s32 $0x1CC80  }
0xc0: {  	[hbm4b:s25+s23] =	stream.linear.scatter [tilespmem:s26], [sflag:$0x2], $0x80, $0x38;
	[tilespmem:$0x1EF00] =	vst v63  }
0xc1: {  	s25 =	sadd.s32 $0x780, s11;
	s26 =	simm.s32 $0x1CE80  }
0xc2: {  	[hbm4b:s25+s23] =	stream.linear.scatter [tilespmem:s26], [sflag:$0x2], $0x80, $0x38;
	[tilespmem:$0x1EF00] =	vst v63  }
0xc3: {  	_ =	swait.ge [sflag:s22], $0x18700  }
0xc4: {  	[sflag:s22] =	ssyncset.done $0x0  }
0xc5: {  	[sflag:s22] =	ssyncadd.s32 $0xFFFE7900  }
0xc6: {  	_ =	swait.ge [sflag:s22], $0x800  }
0xc7: {  	[sflag:s22] =	ssyncset.done $0x0  }
0xc8: {  	s24 =	simm.s32 $0x0;
	[sflag:s22] =	ssyncadd.s32 $0xFFFFF800  }
.LBB2_4:
0xc9: {  	s25 =	sshra.s32 s23, $0x2  }
0xca: {  	v0 =	vld [tilespmem:s25+$0x0];
	_ =	sdelay $0x6  }
0xcb: {  	v1 =	vld [tilespmem:s25+$0x1A700]  }
0xcc: {  	v0 =	vld.idx.msk [tilespmem:v0+s19+$0x0], $0xffff;
	_ =	sdelay $0x4  }
0xcd: {  	s26 =	sand.u32 $0x1E00, s23;
	s25 =	sand.u32 $0x70, s24;
	v0 =	vadd.f32 v0, v1  }
0xce: {  	s25 =	sor.u32 s25, s26  }
0xcf: {  	s26 =	sand.u32 $0x7F0, s24;
	[tilespmem:s25+$0x1CF00] =	vst v0  }
0xd0: {  	v0 =	vld [tilespmem:s26+$0x800];
	_ =	sdelay $0x7  }
0xd1: {  	v0 =	vld.idx.msk [tilespmem:v0+s19+$0x0], $0xffff;
	_ =	sdelay $0x4  }
0xd2: {  	v0 =	vadd.f32 v0, v1;
	_ =	sdelay $0x1  }
0xd3: {  	[tilespmem:s25+$0x1CF80] =	vst v0  }
0xd4: {  	v0 =	vld [tilespmem:s26+$0x1000];
	_ =	sdelay $0x7  }
0xd5: {  	v0 =	vld.idx.msk [tilespmem:v0+s19+$0x0], $0xffff;
	_ =	sdelay $0x4  }
0xd6: {  	v0 =	vadd.f32 v0, v1;
	_ =	sdelay $0x1  }
0xd7: {  	[tilespmem:s25+$0x1D000] =	vst v0  }
0xd8: {  	v0 =	vld [tilespmem:s26+$0x1800];
	_ =	sdelay $0x7  }
0xd9: {  	v0 =	vld.idx.msk [tilespmem:v0+s19+$0x0], $0xffff;
	_ =	sdelay $0x1  }
0xda: {  	p0 =	sne.s32 s24, $0x7F0  }
.Ltmp1:
0xdb: {  	_ = 	snop;
	(pc) =	sbr.rel @p0 .LBB2_4-.Ltmp1, $3  }
0xdc: {  	_ = 	snop  }
0xdd: {  	v0 =	vadd.f32 v0, v1;
	_ =	sdelay $0x1  }
0xde: {  	s23 =	sadd.s32 $0x40, s23;
	s24 =	sadd.s32 $0x10, s24;
	[tilespmem:s25+$0x1D080] =	vst v0  }
0xdf: {  	s23 =	simm.s32 $0x1CF00  }
0xe0: {  	[hbm4b:s12+s2] =	stream.linear.scatter [tilespmem:s23], [sflag:$0x2], $0x80, $0x38;
	[tilespmem:$0x1EF00] =	vst v63  }
0xe1: {  	s26 =	sadd.s32 $0x80, s12;
	s24 =	simm.s32 $0x1D100  }
0xe2: {  	[hbm4b:s26+s2] =	stream.linear.scatter [tilespmem:s24], [sflag:$0x2], $0x80, $0x38;
	[tilespmem:$0x1EF00] =	vst v63  }
0xe3: {  	s25 =	sadd.s32 $0x100, s12;
	s26 =	simm.s32 $0x1D300  }
0xe4: {  	[hbm4b:s25+s2] =	stream.linear.scatter [tilespmem:s26], [sflag:$0x2], $0x80, $0x38;
	[tilespmem:$0x1EF00] =	vst v63  }
0xe5: {  	s25 =	sadd.s32 $0x180, s12;
	s26 =	simm.s32 $0x1D500  }
0xe6: {  	[hbm4b:s25+s2] =	stream.linear.scatter [tilespmem:s26], [sflag:$0x2], $0x80, $0x38;
	[tilespmem:$0x1EF00] =	vst v63  }
0xe7: {  	s25 =	sadd.s32 $0x200, s12;
	s26 =	simm.s32 $0x1D700  }
0xe8: {  	[hbm4b:s25+s2] =	stream.linear.scatter [tilespmem:s26], [sflag:$0x2], $0x80, $0x38;
	[tilespmem:$0x1EF00] =	vst v63  }
0xe9: {  	s25 =	sadd.s32 $0x280, s12;
	s26 =	simm.s32 $0x1D900  }
0xea: {  	[hbm4b:s25+s2] =	stream.linear.scatter [tilespmem:s26], [sflag:$0x2], $0x80, $0x38;
	[tilespmem:$0x1EF00] =	vst v63  }
0xeb: {  	s25 =	sadd.s32 $0x300, s12;
	s26 =	simm.s32 $0x1DB00  }
0xec: {  	[hbm4b:s25+s2] =	stream.linear.scatter [tilespmem:s26], [sflag:$0x2], $0x80, $0x38;
	[tilespmem:$0x1EF00] =	vst v63  }
0xed: {  	s25 =	sadd.s32 $0x380, s12;
	s26 =	simm.s32 $0x1DD00  }
0xee: {  	[hbm4b:s25+s2] =	stream.linear.scatter [tilespmem:s26], [sflag:$0x2], $0x80, $0x38;
	[tilespmem:$0x1EF00] =	vst v63  }
0xef: {  	s25 =	sadd.s32 $0x400, s12;
	s26 =	simm.s32 $0x1DF00  }
0xf0: {  	[hbm4b:s25+s2] =	stream.linear.scatter [tilespmem:s26], [sflag:$0x2], $0x80, $0x38;
	[tilespmem:$0x1EF00] =	vst v63  }
0xf1: {  	s25 =	sadd.s32 $0x480, s12;
	s26 =	simm.s32 $0x1E100  }
0xf2: {  	[hbm4b:s25+s2] =	stream.linear.scatter [tilespmem:s26], [sflag:$0x2], $0x80, $0x38;
	[tilespmem:$0x1EF00] =	vst v63  }
0xf3: {  	s25 =	sadd.s32 $0x500, s12;
	s26 =	simm.s32 $0x1E300  }
0xf4: {  	[hbm4b:s25+s2] =	stream.linear.scatter [tilespmem:s26], [sflag:$0x2], $0x80, $0x38;
	[tilespmem:$0x1EF00] =	vst v63  }
0xf5: {  	s25 =	sadd.s32 $0x580, s12;
	s26 =	simm.s32 $0x1E500  }
0xf6: {  	[hbm4b:s25+s2] =	stream.linear.scatter [tilespmem:s26], [sflag:$0x2], $0x80, $0x38;
	[tilespmem:$0x1EF00] =	vst v63  }
0xf7: {  	s25 =	sadd.s32 $0x600, s12;
	s26 =	simm.s32 $0x1E700  }
0xf8: {  	[hbm4b:s25+s2] =	stream.linear.scatter [tilespmem:s26], [sflag:$0x2], $0x80, $0x38;
	[tilespmem:$0x1EF00] =	vst v63  }
0xf9: {  	s25 =	sadd.s32 $0x680, s12;
	s26 =	simm.s32 $0x1E900  }
0xfa: {  	[hbm4b:s25+s2] =	stream.linear.scatter [tilespmem:s26], [sflag:$0x2], $0x80, $0x38;
	[tilespmem:$0x1EF00] =	vst v63  }
0xfb: {  	s25 =	sadd.s32 $0x700, s12;
	s26 =	simm.s32 $0x1EB00  }
0xfc: {  	[hbm4b:s25+s2] =	stream.linear.scatter [tilespmem:s26], [sflag:$0x2], $0x80, $0x38;
	[tilespmem:$0x1EF00] =	vst v63  }
0xfd: {  	s25 =	sadd.s32 $0x780, s12;
	s26 =	simm.s32 $0x1ED00  }
0xfe: {  	[hbm4b:s25+s2] =	stream.linear.scatter [tilespmem:s26], [sflag:$0x2], $0x80, $0x38;
	[tilespmem:$0x1EF00] =	vst v63  }
0xff: {  	s24 =	simm.s32 $0x1CF80  }
0x100: {  	[hbm4b:s13+s2] =	stream.linear.scatter [tilespmem:s24], [sflag:$0x2], $0x80, $0x38;
	[tilespmem:$0x1EF00] =	vst v63  }
0x101: {  	s25 =	sadd.s32 $0x80, s13;
	s26 =	simm.s32 $0x1D180  }
0x102: {  	[hbm4b:s25+s2] =	stream.linear.scatter [tilespmem:s26], [sflag:$0x2], $0x80, $0x38;
	[tilespmem:$0x1EF00] =	vst v63  }
0x103: {  	s25 =	sadd.s32 $0x100, s13;
	s26 =	simm.s32 $0x1D380  }
0x104: {  	[hbm4b:s25+s2] =	stream.linear.scatter [tilespmem:s26], [sflag:$0x2], $0x80, $0x38;
	[tilespmem:$0x1EF00] =	vst v63  }
0x105: {  	s25 =	sadd.s32 $0x180, s13;
	s26 =	simm.s32 $0x1D580  }
0x106: {  	[hbm4b:s25+s2] =	stream.linear.scatter [tilespmem:s26], [sflag:$0x2], $0x80, $0x38;
	[tilespmem:$0x1EF00] =	vst v63  }
0x107: {  	s25 =	sadd.s32 $0x200, s13;
	s26 =	simm.s32 $0x1D780  }
0x108: {  	[hbm4b:s25+s2] =	stream.linear.scatter [tilespmem:s26], [sflag:$0x2], $0x80, $0x38;
	[tilespmem:$0x1EF00] =	vst v63  }
0x109: {  	s25 =	sadd.s32 $0x280, s13;
	s26 =	simm.s32 $0x1D980  }
0x10a: {  	[hbm4b:s25+s2] =	stream.linear.scatter [tilespmem:s26], [sflag:$0x2], $0x80, $0x38;
	[tilespmem:$0x1EF00] =	vst v63  }
0x10b: {  	s25 =	sadd.s32 $0x300, s13;
	s26 =	simm.s32 $0x1DB80  }
0x10c: {  	[hbm4b:s25+s2] =	stream.linear.scatter [tilespmem:s26], [sflag:$0x2], $0x80, $0x38;
	[tilespmem:$0x1EF00] =	vst v63  }
0x10d: {  	s25 =	sadd.s32 $0x380, s13;
	s26 =	simm.s32 $0x1DD80  }
0x10e: {  	[hbm4b:s25+s2] =	stream.linear.scatter [tilespmem:s26], [sflag:$0x2], $0x80, $0x38;
	[tilespmem:$0x1EF00] =	vst v63  }
0x10f: {  	s25 =	sadd.s32 $0x400, s13;
	s26 =	simm.s32 $0x1DF80  }
0x110: {  	[hbm4b:s25+s2] =	stream.linear.scatter [tilespmem:s26], [sflag:$0x2], $0x80, $0x38;
	[tilespmem:$0x1EF00] =	vst v63  }
0x111: {  	s25 =	sadd.s32 $0x480, s13;
	s26 =	simm.s32 $0x1E180  }
0x112: {  	[hbm4b:s25+s2] =	stream.linear.scatter [tilespmem:s26], [sflag:$0x2], $0x80, $0x38;
	[tilespmem:$0x1EF00] =	vst v63  }
0x113: {  	s25 =	sadd.s32 $0x500, s13;
	s26 =	simm.s32 $0x1E380  }
0x114: {  	[hbm4b:s25+s2] =	stream.linear.scatter [tilespmem:s26], [sflag:$0x2], $0x80, $0x38;
	[tilespmem:$0x1EF00] =	vst v63  }
0x115: {  	s25 =	sadd.s32 $0x580, s13;
	s26 =	simm.s32 $0x1E580  }
0x116: {  	[hbm4b:s25+s2] =	stream.linear.scatter [tilespmem:s26], [sflag:$0x2], $0x80, $0x38;
	[tilespmem:$0x1EF00] =	vst v63  }
0x117: {  	s25 =	sadd.s32 $0x600, s13;
	s26 =	simm.s32 $0x1E780  }
0x118: {  	[hbm4b:s25+s2] =	stream.linear.scatter [tilespmem:s26], [sflag:$0x2], $0x80, $0x38;
	[tilespmem:$0x1EF00] =	vst v63  }
0x119: {  	s25 =	sadd.s32 $0x680, s13;
	s26 =	simm.s32 $0x1E980  }
0x11a: {  	[hbm4b:s25+s2] =	stream.linear.scatter [tilespmem:s26], [sflag:$0x2], $0x80, $0x38;
	[tilespmem:$0x1EF00] =	vst v63  }
0x11b: {  	s25 =	sadd.s32 $0x700, s13;
	s26 =	simm.s32 $0x1EB80  }
0x11c: {  	[hbm4b:s25+s2] =	stream.linear.scatter [tilespmem:s26], [sflag:$0x2], $0x80, $0x38;
	[tilespmem:$0x1EF00] =	vst v63  }
0x11d: {  	s25 =	sadd.s32 $0x780, s13;
	s26 =	simm.s32 $0x1ED80  }
0x11e: {  	[hbm4b:s25+s2] =	stream.linear.scatter [tilespmem:s26], [sflag:$0x2], $0x80, $0x38;
	[tilespmem:$0x1EF00] =	vst v63  }
0x11f: {  	s24 =	simm.s32 $0x1D000  }
0x120: {  	[hbm4b:s14+s2] =	stream.linear.scatter [tilespmem:s24], [sflag:$0x2], $0x80, $0x38;
	[tilespmem:$0x1EF00] =	vst v63  }
0x121: {  	s25 =	sadd.s32 $0x80, s14;
	s26 =	simm.s32 $0x1D200  }
0x122: {  	[hbm4b:s25+s2] =	stream.linear.scatter [tilespmem:s26], [sflag:$0x2], $0x80, $0x38;
	[tilespmem:$0x1EF00] =	vst v63  }
0x123: {  	s25 =	sadd.s32 $0x100, s14;
	s26 =	simm.s32 $0x1D400  }
0x124: {  	[hbm4b:s25+s2] =	stream.linear.scatter [tilespmem:s26], [sflag:$0x2], $0x80, $0x38;
	[tilespmem:$0x1EF00] =	vst v63  }
0x125: {  	s25 =	sadd.s32 $0x180, s14;
	s26 =	simm.s32 $0x1D600  }
0x126: {  	[hbm4b:s25+s2] =	stream.linear.scatter [tilespmem:s26], [sflag:$0x2], $0x80, $0x38;
	[tilespmem:$0x1EF00] =	vst v63  }
0x127: {  	s25 =	sadd.s32 $0x200, s14;
	s26 =	simm.s32 $0x1D800  }
0x128: {  	[hbm4b:s25+s2] =	stream.linear.scatter [tilespmem:s26], [sflag:$0x2], $0x80, $0x38;
	[tilespmem:$0x1EF00] =	vst v63  }
0x129: {  	s25 =	sadd.s32 $0x280, s14;
	s26 =	simm.s32 $0x1DA00  }
0x12a: {  	[hbm4b:s25+s2] =	stream.linear.scatter [tilespmem:s26], [sflag:$0x2], $0x80, $0x38;
	[tilespmem:$0x1EF00] =	vst v63  }
0x12b: {  	s25 =	sadd.s32 $0x300, s14;
	s26 =	simm.s32 $0x1DC00  }
0x12c: {  	[hbm4b:s25+s2] =	stream.linear.scatter [tilespmem:s26], [sflag:$0x2], $0x80, $0x38;
	[tilespmem:$0x1EF00] =	vst v63  }
0x12d: {  	s25 =	sadd.s32 $0x380, s14;
	s26 =	simm.s32 $0x1DE00  }
0x12e: {  	[hbm4b:s25+s2] =	stream.linear.scatter [tilespmem:s26], [sflag:$0x2], $0x80, $0x38;
	[tilespmem:$0x1EF00] =	vst v63  }
0x12f: {  	s25 =	sadd.s32 $0x400, s14;
	s26 =	simm.s32 $0x1E000  }
0x130: {  	[hbm4b:s25+s2] =	stream.linear.scatter [tilespmem:s26], [sflag:$0x2], $0x80, $0x38;
	[tilespmem:$0x1EF00] =	vst v63  }
0x131: {  	s25 =	sadd.s32 $0x480, s14;
	s26 =	simm.s32 $0x1E200  }
0x132: {  	[hbm4b:s25+s2] =	stream.linear.scatter [tilespmem:s26], [sflag:$0x2], $0x80, $0x38;
	[tilespmem:$0x1EF00] =	vst v63  }
0x133: {  	s25 =	sadd.s32 $0x500, s14;
	s26 =	simm.s32 $0x1E400  }
0x134: {  	[hbm4b:s25+s2] =	stream.linear.scatter [tilespmem:s26], [sflag:$0x2], $0x80, $0x38;
	[tilespmem:$0x1EF00] =	vst v63  }
0x135: {  	s25 =	sadd.s32 $0x580, s14;
	s26 =	simm.s32 $0x1E600  }
0x136: {  	[hbm4b:s25+s2] =	stream.linear.scatter [tilespmem:s26], [sflag:$0x2], $0x80, $0x38;
	[tilespmem:$0x1EF00] =	vst v63  }
0x137: {  	s25 =	sadd.s32 $0x600, s14;
	s26 =	simm.s32 $0x1E800  }
0x138: {  	[hbm4b:s25+s2] =	stream.linear.scatter [tilespmem:s26], [sflag:$0x2], $0x80, $0x38;
	[tilespmem:$0x1EF00] =	vst v63  }
0x139: {  	s25 =	sadd.s32 $0x680, s14;
	s26 =	simm.s32 $0x1EA00  }
0x13a: {  	[hbm4b:s25+s2] =	stream.linear.scatter [tilespmem:s26], [sflag:$0x2], $0x80, $0x38;
	[tilespmem:$0x1EF00] =	vst v63  }
0x13b: {  	s25 =	sadd.s32 $0x700, s14;
	s26 =	simm.s32 $0x1EC00  }
0x13c: {  	[hbm4b:s25+s2] =	stream.linear.scatter [tilespmem:s26], [sflag:$0x2], $0x80, $0x38;
	[tilespmem:$0x1EF00] =	vst v63  }
0x13d: {  	s25 =	sadd.s32 $0x780, s14;
	s26 =	simm.s32 $0x1EE00  }
0x13e: {  	[hbm4b:s25+s2] =	stream.linear.scatter [tilespmem:s26], [sflag:$0x2], $0x80, $0x38;
	[tilespmem:$0x1EF00] =	vst v63  }
0x13f: {  	s24 =	simm.s32 $0x1D080  }
0x140: {  	[hbm4b:s15+s2] =	stream.linear.scatter [tilespmem:s24], [sflag:$0x2], $0x80, $0x38;
	[tilespmem:$0x1EF00] =	vst v63  }
0x141: {  	s25 =	sadd.s32 $0x80, s15;
	s26 =	simm.s32 $0x1D280  }
0x142: {  	[hbm4b:s25+s2] =	stream.linear.scatter [tilespmem:s26], [sflag:$0x2], $0x80, $0x38;
	[tilespmem:$0x1EF00] =	vst v63  }
0x143: {  	s25 =	sadd.s32 $0x100, s15;
	s26 =	simm.s32 $0x1D480  }
0x144: {  	[hbm4b:s25+s2] =	stream.linear.scatter [tilespmem:s26], [sflag:$0x2], $0x80, $0x38;
	[tilespmem:$0x1EF00] =	vst v63  }
0x145: {  	s25 =	sadd.s32 $0x180, s15;
	s26 =	simm.s32 $0x1D680  }
0x146: {  	[hbm4b:s25+s2] =	stream.linear.scatter [tilespmem:s26], [sflag:$0x2], $0x80, $0x38;
	[tilespmem:$0x1EF00] =	vst v63  }
0x147: {  	s25 =	sadd.s32 $0x200, s15;
	s26 =	simm.s32 $0x1D880  }
0x148: {  	[hbm4b:s25+s2] =	stream.linear.scatter [tilespmem:s26], [sflag:$0x2], $0x80, $0x38;
	[tilespmem:$0x1EF00] =	vst v63  }
0x149: {  	s25 =	sadd.s32 $0x280, s15;
	s26 =	simm.s32 $0x1DA80  }
0x14a: {  	[hbm4b:s25+s2] =	stream.linear.scatter [tilespmem:s26], [sflag:$0x2], $0x80, $0x38;
	[tilespmem:$0x1EF00] =	vst v63  }
0x14b: {  	s25 =	sadd.s32 $0x300, s15;
	s26 =	simm.s32 $0x1DC80  }
0x14c: {  	[hbm4b:s25+s2] =	stream.linear.scatter [tilespmem:s26], [sflag:$0x2], $0x80, $0x38;
	[tilespmem:$0x1EF00] =	vst v63  }
0x14d: {  	s25 =	sadd.s32 $0x380, s15;
	s26 =	simm.s32 $0x1DE80  }
0x14e: {  	[hbm4b:s25+s2] =	stream.linear.scatter [tilespmem:s26], [sflag:$0x2], $0x80, $0x38;
	[tilespmem:$0x1EF00] =	vst v63  }
0x14f: {  	s25 =	sadd.s32 $0x400, s15;
	s26 =	simm.s32 $0x1E080  }
0x150: {  	[hbm4b:s25+s2] =	stream.linear.scatter [tilespmem:s26], [sflag:$0x2], $0x80, $0x38;
	[tilespmem:$0x1EF00] =	vst v63  }
0x151: {  	s25 =	sadd.s32 $0x480, s15;
	s26 =	simm.s32 $0x1E280  }
0x152: {  	[hbm4b:s25+s2] =	stream.linear.scatter [tilespmem:s26], [sflag:$0x2], $0x80, $0x38;
	[tilespmem:$0x1EF00] =	vst v63  }
0x153: {  	s25 =	sadd.s32 $0x500, s15;
	s26 =	simm.s32 $0x1E480  }
0x154: {  	[hbm4b:s25+s2] =	stream.linear.scatter [tilespmem:s26], [sflag:$0x2], $0x80, $0x38;
	[tilespmem:$0x1EF00] =	vst v63  }
0x155: {  	s24 =	sadd.s32 $0x580, s15;
	s25 =	simm.s32 $0x1E680  }
0x156: {  	[hbm4b:s24+s2] =	stream.linear.scatter [tilespmem:s25], [sflag:$0x2], $0x80, $0x38;
	[tilespmem:$0x1EF00] =	vst v63  }
0x157: {  	s26 =	sadd.s32 $0x600, s15  }
0x158: {  	[hbm4b:s26+s2] =	stream.linear.scatter [tilespmem:s28], [sflag:$0x2], $0x80, $0x38;
	[tilespmem:$0x1EF00] =	vst v63  }
0x159: {  	s1 =	sadd.s32 $0x1, s1;
	s24 =	sadd.s32 $0x680, s15  }
0x15a: {  	[hbm4b:s24+s2] =	stream.linear.scatter [tilespmem:s29], [sflag:$0x2], $0x80, $0x38;
	[tilespmem:$0x1EF00] =	vst v63  }
0x15b: {  	p0 =	sne.s32 s1, s16;
	s25 =	sadd.s32 $0x700, s15  }
0x15c: {  	[hbm4b:s25+s2] =	stream.linear.scatter [tilespmem:s30], [sflag:$0x2], $0x80, $0x38;
	[tilespmem:$0x1EF00] =	vst v63  }
.Ltmp2:
0x15d: {  	s26 =	sadd.s32 $0x780, s15;
	(pc) =	sbr.rel @p0 .LBB2_1-.Ltmp2, $4  }
0x15e: {  	[hbm4b:s26+s2] =	stream.linear.scatter [tilespmem:s31], [sflag:$0x2], $0x80, $0x38;
	[tilespmem:$0x1EF00] =	vst v63  }
0x15f: {  	_ =	swait.ge [sflag:s0], $0x4000  }
0x160: {  	[sflag:s0] =	ssyncset.done $0x0  }
0x161: {  	[sflag:s0] =	ssyncadd.s32 $0xFFFFC000  }
0x162: {  	_ =	sfence.sel $0x180000  }
0x163: {  	[bflag:$0x0] =	sbarrier.arrive $0xFFFF  }
0x164: {  	_ =	strace $0x90000047  }
0x165: {  	s0 =	stileid.u32;
	[bflag:$0x2] =	sbarrier.arrive $0xFFFF  }
0x166: {  	p0 =	sne.s32 s0, $0x0;
	s0 =	rddreg [dreg:$0x4]  }
0x167: {  	s0 =	sadd.s32 @!p0 $0x100000, s0  }
0x168: {  	[sflag:s0] =	ssyncadd.tile.s32 @!p0 $0x1;
	_ =	shalt  }
.Lfunc_end2:
_tile_overlayer_lowered:
.L_overlay_start_2:
0x169: {  	(tag) =	ssettag $0x2  }
0x16a: {  	s0 =	rddreg [dreg:$0x0];
	s2 =	stileid.u32  }
0x16b: {  	s1 =	rddreg [dreg:$0x1];
	p0 =	sne.s32 s2, $0x0  }
0x16c: {  	s3 =	rddreg [dreg:$0x2];
	[bflag:$0x3] =	sbarrier.arrive $0xFFFF;
	s2 =	simm.s32 @!p0 $0x1C03  }
0x16d: {  	[timem:s3], [sflag:s2] =	dma.local @!p0 [hbm:s0], s1  }
0x16e: {  	s0 =	simm.s32 @!p0 $0x3  }
0x16f: {  	_ =	swait.ge @!p0 [sflag:s0], s1  }
0x170: {  	s1 =	ssub.s32 @!p0 $0x0, s1;
	[sflag:s0] =	ssyncset.done @!p0 $0x0  }
0x171: {  	[sflag:s0] =	ssyncadd.s32 @!p0 s1  }
0x172: {  	[bflag:$0x3] =	sbarrier.arrive $0xFFFF  }
0x173: {  	_ =	shalt  }

</sc_bundles>
